<compile_context>
chip_gen: v7x
topology: tpu7x:2x2x1
jax: 0.10.2.dev20260603
libtpu: 0.0.44.dev20260713+nightly
codegen_flags: <defaults>
</compile_context>

<pallas_src>
import functools

import jax
import jax.numpy as jnp
from jax import lax
from jax.experimental import pallas as pl
from jax.experimental.pallas import tpu as pltpu
from jax.experimental.pallas import tpu_sc as plsc

_SC_CORES = 2
_SC_SUBCORES = 16


def _proj_body(seq_ref, wq_ref, wl_ref, wr_ref, ws_ref, pos_ref, ca_ref,
               qs_ref, l_ref, r_ref, st_ref, tab_ref):
    s = seq_ref[...]
    dn = (((1,), (0,)), ((), ()))
    qs_ref[...] = lax.dot_general(s, wq_ref[...], dn,
                                  preferred_element_type=jnp.float32)
    l_ref[...] = lax.dot_general(s, wl_ref[...], dn,
                                 preferred_element_type=jnp.float32)
    r_ref[...] = lax.dot_general(s, wr_ref[...], dn,
                                 preferred_element_type=jnp.float32)
    st_ref[...] = lax.dot_general(s, ws_ref[...], dn,
                                  preferred_element_type=jnp.float32)
    nbin, nca = pos_ref.shape[0], ca_ref.shape[0]
    d = pos_ref.shape[1]
    pad = jnp.zeros((d - nbin - nca, d), jnp.float32)
    tab_ref[...] = jnp.concatenate(
        [pos_ref[...], ca_ref[...], pad], axis=0).astype(jnp.bfloat16)


def _pair_body(blk, nbin_hi, idx_row_ref, idx_col_ref, ca_ref, l_ref, r_ref,
               tab_ref, out_ref):
    L = l_ref.shape[0]
    D = l_ref.shape[1]
    ii = idx_col_ref[...]
    jj = idx_row_ref[...]
    p = jnp.clip(jj - ii + 32, 0, nbin_hi)
    q = (p << 7) | (ca_ref[0] + (nbin_hi + 1))
    q3 = q[:, :, None]
    col = lax.broadcasted_iota(jnp.int32, (blk, L, D), 2)
    oh = (col == (q3 >> 7)) | (col == (q3 & 127))
    ohb = oh.astype(jnp.bfloat16).reshape(blk * L, D)
    g = lax.dot_general(ohb, tab_ref[...], (((1,), (0,)), ((), ())),
                        preferred_element_type=jnp.float32)
    out_ref[...] = (g.reshape(blk, L, D)
                    + l_ref[...][None, :, :]
                    + r_ref[...][:, None, :])


def kernel(msa, seq, idx, CA_dist_matrix, emb_q_w, emb_left_w, emb_right_w,
           emb_state_w, pos_emb_w, ca_emb_w):
    B, N = msa.shape[0], msa.shape[1]
    L, DI = seq.shape[1], seq.shape[2]
    DM, DP, DS = emb_q_w.shape[1], emb_left_w.shape[1], emb_state_w.shape[1]
    NBIN = pos_emb_w.shape[0]

    seq2 = seq.reshape(B * L, DI)
    idx2 = idx.reshape(B * L).astype(jnp.int32)
    ca3 = CA_dist_matrix.astype(jnp.int32)

    f32 = jnp.float32
    qs, left, right, state, tab = pl.pallas_call(
        _proj_body,
        out_shape=(
            jax.ShapeDtypeStruct((B * L, DM), f32),
            jax.ShapeDtypeStruct((B * L, DP), f32),
            jax.ShapeDtypeStruct((B * L, DP), f32),
            jax.ShapeDtypeStruct((B * L, DS), f32),
            jax.ShapeDtypeStruct((DP, DP), jnp.bfloat16),
        ),
    )(seq2, emb_q_w, emb_left_w, emb_right_w, emb_state_w,
      pos_emb_w, ca_emb_w)

    BLK = 64
    grid = (L // BLK,)
    pair = pl.pallas_call(
        functools.partial(_pair_body, BLK, NBIN - 1),
        grid=grid,
        in_specs=[
            pl.BlockSpec((1, L), lambda i: (0, 0)),
            pl.BlockSpec((BLK, 1), lambda i: (i, 0)),
            pl.BlockSpec((1, BLK, L), lambda i: (0, i, 0)),
            pl.BlockSpec((L, DP), lambda i: (0, 0)),
            pl.BlockSpec((BLK, DP), lambda i: (i, 0)),
            pl.BlockSpec((DP, DP), lambda i: (0, 0)),
        ],
        out_specs=pl.BlockSpec((BLK, L, DP), lambda i: (i, 0, 0)),
        out_shape=jax.ShapeDtypeStruct((L, L, DP), f32),
    )(idx2.reshape(1, L), idx2.reshape(L, 1), ca3, left, right, tab)

    nw = _SC_CORES * _SC_SUBCORES
    lw = 24
    n_lc = (B * L) // lw
    NR = N // (nw // n_lc)
    mesh = plsc.VectorSubcoreMesh(
        core_axis_name="c", subcore_axis_name="s",
        num_cores=_SC_CORES, num_subcores=_SC_SUBCORES)

    K = 8
    G = NR // K

    def _sc_bcast(qs_hbm, out_hbm, buf, sem):
        wid = lax.axis_index("s") * _SC_CORES + lax.axis_index("c")
        l0 = (wid // 2) * lw
        n_base = (wid % 2) * NR
        pltpu.sync_copy(qs_hbm.at[pl.ds(l0, lw)], buf)

        def fire(gbase):
            for b in range(K):
                pltpu.async_copy(
                    buf, out_hbm.at[n_base + gbase + b, pl.ds(l0, lw)], sem)

        def drain_one():
            pltpu.make_async_copy(buf, out_hbm.at[0, pl.ds(l0, lw)],
                                  sem).wait()

        fire(0)

        def body(g, _):
            fire((g + 1) * K)
            for _b in range(K):
                drain_one()
            return ()

        lax.fori_loop(0, G - 1, body, ())
        for _b in range(K):
            drain_one()

    msa_out = pl.kernel(
        _sc_bcast,
        out_type=jax.ShapeDtypeStruct((N, B * L, DM), f32),
        mesh=mesh,
        scratch_types=[
            pltpu.VMEM((lw, DM), f32),
            pltpu.SemaphoreType.DMA,
        ],
    )(qs)

    return (msa_out.reshape(B, N, L, DM),
            pair.reshape(B, L, L, DP),
            state.reshape(B, L, DS))

# --- scband reference (transcript-rebuilt; emitter-appended) ---
"""Pipeline reference for scband-msa-emb-38457137168464 (READ-ONLY COPY).

The authoritative reference and input builder live on the scoring server;
editing this copy changes nothing except your own understanding.
"""

import jax, jax.numpy as jnp
import numpy as np

B, N, L = 1, 256, 384
D_INIT, D_MSA, D_PAIR, D_STATE = 21, 256, 128, 32
MINPOS, MAXPOS = -32, 32
NBIN = abs(MINPOS) + MAXPOS + 1  # 65
MAX_ATOM_DIST = 33


def setup_inputs(seed: int = 0) -> dict:
    key = jax.random.key(seed)
    ks = jax.random.split(key, 10)
    msa = jax.random.normal(ks[0], (B, N, L, D_INIT), dtype=jnp.float32)
    seq = jax.random.uniform(ks[1], (B, L, D_INIT), dtype=jnp.float32)
    idx = jnp.arange(B * L, dtype=jnp.int64 if jax.config.jax_enable_x64 else jnp.int32).reshape(B, L)
    CA_dist_matrix = jax.random.randint(ks[2], (B, L, L), 0, MAX_ATOM_DIST)
    s = 1.0 / np.sqrt(D_INIT)
    emb_q_w = jax.random.normal(ks[3], (D_INIT, D_MSA), dtype=jnp.float32) * s
    emb_left_w = jax.random.normal(ks[4], (D_INIT, D_PAIR), dtype=jnp.float32) * s
    emb_right_w = jax.random.normal(ks[5], (D_INIT, D_PAIR), dtype=jnp.float32) * s
    emb_state_w = jax.random.normal(ks[6], (D_INIT, D_STATE), dtype=jnp.float32) * s
    pos_emb_w = jax.random.normal(ks[7], (NBIN, D_PAIR), dtype=jnp.float32) * 0.02
    ca_emb_w = jax.random.normal(ks[8], (MAX_ATOM_DIST, D_PAIR), dtype=jnp.float32) * 0.02
    return {"msa": msa, "seq": seq, "idx": idx, "CA_dist_matrix": CA_dist_matrix,
            "emb_q_w": emb_q_w, "emb_left_w": emb_left_w, "emb_right_w": emb_right_w,
            "emb_state_w": emb_state_w, "pos_emb_w": pos_emb_w, "ca_emb_w": ca_emb_w}


def reference(msa, seq, idx, CA_dist_matrix, emb_q_w, emb_left_w, emb_right_w, emb_state_w, pos_emb_w, ca_emb_w):
    # eval mode: dropout = identity
    b, n = msa.shape[0], msa.shape[1]
    l = seq.shape[1]
    # msa branch: project query seq and expand over MSA depth
    msa_out = jnp.broadcast_to((seq @ emb_q_w)[:, None, :, :], (b, n, l, emb_q_w.shape[1]))
    # pair branch
    left = (seq @ emb_left_w)[:, None, :, :]        # [B,1,L,d_pair]
    right = (seq @ emb_right_w)[:, :, None, :]      # [B,L,1,d_pair]
    pair = left + right                              # [B,L,L,d_pair]
    # PositionalEncoding2D (torch.bucketize right=False == searchsorted side='left')
    bins = jnp.arange(MINPOS, MAXPOS)               # 64 boundaries -> indices in [0,64]
    seqsep = idx[:, None, :] - idx[:, :, None]      # [B,L,L]
    ib = jnp.searchsorted(bins, seqsep, side='left')
    pair = pair + jnp.take(pos_emb_w, ib, axis=0)   # gather [B,L,L,d_pair]
    # CA distance embedding
    pair = pair + jnp.take(ca_emb_w, CA_dist_matrix, axis=0)
    # state branch
    state = seq @ emb_state_w
    return (msa_out, pair, state)

if __name__ == "__main__":
    import jax
    _d = setup_inputs()
    print(jax.jit(kernel)(*tuple(_d.values())))

</pallas_src>

<mosaic_0001>
#map = affine_map<(d0, d1) -> (0, 0)>
#map1 = affine_map<(d0, d1) -> (0, 0, 0)>
module attributes {stable_mosaic.version = 14 : i64} {
  func.func @_sc_bcast(%arg0: i32, %arg1: i32, %arg2: memref<384x256xf32, #tpu.memory_space<hbm>>, %arg3: memref<256x384x256xf32, #tpu.memory_space<hbm>>, %arg4: memref<24x256xf32, #tpu.memory_space<vmem>>, %arg5: memref<!tpu.dma_semaphore, #tpu.memory_space<semaphore_mem>>) attributes {dimension_semantics = [#tpu.dimension_semantics<core_parallel>, #tpu.dimension_semantics<subcore_parallel>], iteration_bounds = array<i64: 2, 16>, scalar_prefetch = 0 : i64, scratch_operands = 2 : i64, tpu.core_type = #tpu.core_type<sc_vector_subcore>, window_params = [{transform_indices = #map}, {transform_indices = #map1}]} {
    %mul3A = arith.constant 2 : i32
    %mul3A_0 = arith.muli %arg1, %mul3A : i32
    %add3A = arith.addi %mul3A_0, %arg0 : i32
    %jit3A = arith.constant 2 : i32
    %div3A = arith.divsi %add3A, %jit3A : i32
    %sign3A = arith.constant 0 : i32
    %sign3A_1 = arith.cmpi sgt, %add3A, %sign3A : i32
    %sign3A_2 = arith.extui %sign3A_1 : i1 to i32
    %sign3A_3 = arith.constant 0 : i32
    %sign3A_4 = arith.cmpi slt, %add3A, %sign3A_3 : i32
    %sign3A_5 = arith.extui %sign3A_4 : i1 to i32
    %sign3A_6 = arith.subi %sign3A_2, %sign3A_5 : i32
    %sign3A_7 = arith.constant 0 : i32
    %sign3A_8 = arith.cmpi sgt, %jit3A, %sign3A_7 : i32
    %sign3A_9 = arith.extui %sign3A_8 : i1 to i32
    %sign3A_10 = arith.constant 0 : i32
    %sign3A_11 = arith.cmpi slt, %jit3A, %sign3A_10 : i32
    %sign3A_12 = arith.extui %sign3A_11 : i1 to i32
    %sign3A_13 = arith.subi %sign3A_9, %sign3A_12 : i32
    %ne3A = arith.cmpi ne, %sign3A_6, %sign3A_13 : i32
    %rem3A = arith.remsi %add3A, %jit3A : i32
    %ne3A_14 = arith.constant 0 : i32
    %ne3A_15 = arith.cmpi ne, %rem3A, %ne3A_14 : i32
    %and3A = arith.andi %ne3A, %ne3A_15 : i1
    %sub3A = arith.constant 1 : i32
    %sub3A_16 = arith.subi %div3A, %sub3A : i32
    %select_n3A = arith.select %and3A, %sub3A_16, %div3A : i32
    %mul3A_17 = arith.constant 24 : i32
    %mul3A_18 = arith.muli %select_n3A, %mul3A_17 : i32
    %jit3A_19 = arith.constant 2 : i32
    %eq3A = arith.constant 0 : i32
    %eq3A_20 = arith.cmpi eq, %jit3A_19, %eq3A : i32
    %jit3A_21 = arith.constant 1 : i32
    %select_n3A_22 = arith.select %eq3A_20, %jit3A_21, %jit3A_19 : i32
    %rem3A_23 = arith.remsi %add3A, %select_n3A_22 : i32
    %ne3A_24 = arith.constant 0 : i32
    %ne3A_25 = arith.cmpi ne, %rem3A_23, %ne3A_24 : i32
    %lt3A = arith.constant 0 : i32
    %lt3A_26 = arith.cmpi slt, %rem3A_23, %lt3A : i32
    %lt3A_27 = arith.constant 0 : i32
    %lt3A_28 = arith.cmpi slt, %select_n3A_22, %lt3A_27 : i32
    %ne3A_29 = arith.xori %lt3A_26, %lt3A_28 : i1
    %and3A_30 = arith.andi %ne3A_29, %ne3A_25 : i1
    %add3A_31 = arith.addi %rem3A_23, %select_n3A_22 : i32
    %select_n3A_32 = arith.select %and3A_30, %add3A_31, %rem3A_23 : i32
    %mul3A_33 = arith.constant 128 : i32
    %mul3A_34 = arith.muli %select_n3A_32, %mul3A_33 : i32
    "tpu.region"() ({
      %run_scoped3A = tpu.sem_alloc : memref<!tpu.dma_semaphore, #tpu.memory_space<semaphore_mem>>
      %dma_start3A_173 = arith.constant 0 : i32
      %dma_start3A_174 = tpu.memref_slice %arg2[%mul3A_18, %dma_start3A_173] : memref<384x256xf32, #tpu.memory_space<hbm>> -> memref<24x256xf32, #tpu.memory_space<hbm>>
      %dma_start3A_175 = arith.constant 0 : i32
      %dma_start3A_176 = tpu.memref_slice %arg2[%mul3A_18, %dma_start3A_175] : memref<384x256xf32, #tpu.memory_space<hbm>> -> memref<24x256xf32, #tpu.memory_space<hbm>>
      tpu.enqueue_dma source(%dma_start3A_176 : memref<24x256xf32, #tpu.memory_space<hbm>>) target(%arg4 : memref<24x256xf32, #tpu.memory_space<vmem>>) target_semaphore(%run_scoped3A : memref<!tpu.dma_semaphore, #tpu.memory_space<semaphore_mem>>)
      %dma_wait3A_177 = arith.constant 0 : i32
      %dma_wait3A_178 = tpu.memref_slice %arg2[%mul3A_18, %dma_wait3A_177] : memref<384x256xf32, #tpu.memory_space<hbm>> -> memref<24x256xf32, #tpu.memory_space<hbm>>
      %dma_wait3A_179 = arith.constant 0 : i32
      %dma_wait3A_180 = tpu.memref_slice %arg2[%mul3A_18, %dma_wait3A_179] : memref<384x256xf32, #tpu.memory_space<hbm>> -> memref<24x256xf32, #tpu.memory_space<hbm>>
      tpu.wait_dma2 semaphore(%run_scoped3A : memref<!tpu.dma_semaphore, #tpu.memory_space<semaphore_mem>>) src(%dma_wait3A_180 : memref<24x256xf32, #tpu.memory_space<hbm>>) dst(%arg4 : memref<24x256xf32, #tpu.memory_space<vmem>>)
      tpu.yield
    }) : () -> ()
    %add3A_35 = arith.constant 0 : i32
    %add3A_36 = arith.addi %mul3A_34, %add3A_35 : i32
    %add3A_37 = arith.constant 0 : i32
    %add3A_38 = arith.addi %add3A_36, %add3A_37 : i32
    %dma_start3A = arith.constant 0 : i32
    %dma_start3A_39 = tpu.memref_slice %arg3[%add3A_38, %mul3A_18, %dma_start3A] : memref<256x384x256xf32, #tpu.memory_space<hbm>> -> memref<1x24x256xf32, #tpu.memory_space<hbm>>
    %dma_start3A_40 = tpu.memref_squeeze %dma_start3A_39 : memref<1x24x256xf32, #tpu.memory_space<hbm>> -> memref<24x256xf32, #tpu.memory_space<hbm>>
    %dma_start3A_41 = arith.constant 0 : i32
    %dma_start3A_42 = tpu.memref_slice %arg3[%add3A_38, %mul3A_18, %dma_start3A_41] : memref<256x384x256xf32, #tpu.memory_space<hbm>> -> memref<1x24x256xf32, #tpu.memory_space<hbm>>
    %dma_start3A_43 = tpu.memref_squeeze %dma_start3A_42 : memref<1x24x256xf32, #tpu.memory_space<hbm>> -> memref<24x256xf32, #tpu.memory_space<hbm>>
    tpu.enqueue_dma source(%arg4 : memref<24x256xf32, #tpu.memory_space<vmem>>) target(%dma_start3A_43 : memref<24x256xf32, #tpu.memory_space<hbm>>) target_semaphore(%arg5 : memref<!tpu.dma_semaphore, #tpu.memory_space<semaphore_mem>>)
    %add3A_44 = arith.constant 0 : i32
    %add3A_45 = arith.addi %mul3A_34, %add3A_44 : i32
    %add3A_46 = arith.constant 1 : i32
    %add3A_47 = arith.addi %add3A_45, %add3A_46 : i32
    %dma_start3A_48 = arith.constant 0 : i32
    %dma_start3A_49 = tpu.memref_slice %arg3[%add3A_47, %mul3A_18, %dma_start3A_48] : memref<256x384x256xf32, #tpu.memory_space<hbm>> -> memref<1x24x256xf32, #tpu.memory_space<hbm>>
    %dma_start3A_50 = tpu.memref_squeeze %dma_start3A_49 : memref<1x24x256xf32, #tpu.memory_space<hbm>> -> memref<24x256xf32, #tpu.memory_space<hbm>>
    %dma_start3A_51 = arith.constant 0 : i32
    %dma_start3A_52 = tpu.memref_slice %arg3[%add3A_47, %mul3A_18, %dma_start3A_51] : memref<256x384x256xf32, #tpu.memory_space<hbm>> -> memref<1x24x256xf32, #tpu.memory_space<hbm>>
    %dma_start3A_53 = tpu.memref_squeeze %dma_start3A_52 : memref<1x24x256xf32, #tpu.memory_space<hbm>> -> memref<24x256xf32, #tpu.memory_space<hbm>>
    tpu.enqueue_dma source(%arg4 : memref<24x256xf32, #tpu.memory_space<vmem>>) target(%dma_start3A_53 : memref<24x256xf32, #tpu.memory_space<hbm>>) target_semaphore(%arg5 : memref<!tpu.dma_semaphore, #tpu.memory_space<semaphore_mem>>)
    %add3A_54 = arith.constant 0 : i32
    %add3A_55 = arith.addi %mul3A_34, %add3A_54 : i32
    %add3A_56 = arith.constant 2 : i32
    %add3A_57 = arith.addi %add3A_55, %add3A_56 : i32
    %dma_start3A_58 = arith.constant 0 : i32
    %dma_start3A_59 = tpu.memref_slice %arg3[%add3A_57, %mul3A_18, %dma_start3A_58] : memref<256x384x256xf32, #tpu.memory_space<hbm>> -> memref<1x24x256xf32, #tpu.memory_space<hbm>>
    %dma_start3A_60 = tpu.memref_squeeze %dma_start3A_59 : memref<1x24x256xf32, #tpu.memory_space<hbm>> -> memref<24x256xf32, #tpu.memory_space<hbm>>
    %dma_start3A_61 = arith.constant 0 : i32
    %dma_start3A_62 = tpu.memref_slice %arg3[%add3A_57, %mul3A_18, %dma_start3A_61] : memref<256x384x256xf32, #tpu.memory_space<hbm>> -> memref<1x24x256xf32, #tpu.memory_space<hbm>>
    %dma_start3A_63 = tpu.memref_squeeze %dma_start3A_62 : memref<1x24x256xf32, #tpu.memory_space<hbm>> -> memref<24x256xf32, #tpu.memory_space<hbm>>
    tpu.enqueue_dma source(%arg4 : memref<24x256xf32, #tpu.memory_space<vmem>>) target(%dma_start3A_63 : memref<24x256xf32, #tpu.memory_space<hbm>>) target_semaphore(%arg5 : memref<!tpu.dma_semaphore, #tpu.memory_space<semaphore_mem>>)
    %add3A_64 = arith.constant 0 : i32
    %add3A_65 = arith.addi %mul3A_34, %add3A_64 : i32
    %add3A_66 = arith.constant 3 : i32
    %add3A_67 = arith.addi %add3A_65, %add3A_66 : i32
    %dma_start3A_68 = arith.constant 0 : i32
    %dma_start3A_69 = tpu.memref_slice %arg3[%add3A_67, %mul3A_18, %dma_start3A_68] : memref<256x384x256xf32, #tpu.memory_space<hbm>> -> memref<1x24x256xf32, #tpu.memory_space<hbm>>
    %dma_start3A_70 = tpu.memref_squeeze %dma_start3A_69 : memref<1x24x256xf32, #tpu.memory_space<hbm>> -> memref<24x256xf32, #tpu.memory_space<hbm>>
    %dma_start3A_71 = arith.constant 0 : i32
    %dma_start3A_72 = tpu.memref_slice %arg3[%add3A_67, %mul3A_18, %dma_start3A_71] : memref<256x384x256xf32, #tpu.memory_space<hbm>> -> memref<1x24x256xf32, #tpu.memory_space<hbm>>
    %dma_start3A_73 = tpu.memref_squeeze %dma_start3A_72 : memref<1x24x256xf32, #tpu.memory_space<hbm>> -> memref<24x256xf32, #tpu.memory_space<hbm>>
    tpu.enqueue_dma source(%arg4 : memref<24x256xf32, #tpu.memory_space<vmem>>) target(%dma_start3A_73 : memref<24x256xf32, #tpu.memory_space<hbm>>) target_semaphore(%arg5 : memref<!tpu.dma_semaphore, #tpu.memory_space<semaphore_mem>>)
    %add3A_74 = arith.constant 0 : i32
    %add3A_75 = arith.addi %mul3A_34, %add3A_74 : i32
    %add3A_76 = arith.constant 4 : i32
    %add3A_77 = arith.addi %add3A_75, %add3A_76 : i32
    %dma_start3A_78 = arith.constant 0 : i32
    %dma_start3A_79 = tpu.memref_slice %arg3[%add3A_77, %mul3A_18, %dma_start3A_78] : memref<256x384x256xf32, #tpu.memory_space<hbm>> -> memref<1x24x256xf32, #tpu.memory_space<hbm>>
    %dma_start3A_80 = tpu.memref_squeeze %dma_start3A_79 : memref<1x24x256xf32, #tpu.memory_space<hbm>> -> memref<24x256xf32, #tpu.memory_space<hbm>>
    %dma_start3A_81 = arith.constant 0 : i32
    %dma_start3A_82 = tpu.memref_slice %arg3[%add3A_77, %mul3A_18, %dma_start3A_81] : memref<256x384x256xf32, #tpu.memory_space<hbm>> -> memref<1x24x256xf32, #tpu.memory_space<hbm>>
    %dma_start3A_83 = tpu.memref_squeeze %dma_start3A_82 : memref<1x24x256xf32, #tpu.memory_space<hbm>> -> memref<24x256xf32, #tpu.memory_space<hbm>>
    tpu.enqueue_dma source(%arg4 : memref<24x256xf32, #tpu.memory_space<vmem>>) target(%dma_start3A_83 : memref<24x256xf32, #tpu.memory_space<hbm>>) target_semaphore(%arg5 : memref<!tpu.dma_semaphore, #tpu.memory_space<semaphore_mem>>)
    %add3A_84 = arith.constant 0 : i32
    %add3A_85 = arith.addi %mul3A_34, %add3A_84 : i32
    %add3A_86 = arith.constant 5 : i32
    %add3A_87 = arith.addi %add3A_85, %add3A_86 : i32
    %dma_start3A_88 = arith.constant 0 : i32
    %dma_start3A_89 = tpu.memref_slice %arg3[%add3A_87, %mul3A_18, %dma_start3A_88] : memref<256x384x256xf32, #tpu.memory_space<hbm>> -> memref<1x24x256xf32, #tpu.memory_space<hbm>>
    %dma_start3A_90 = tpu.memref_squeeze %dma_start3A_89 : memref<1x24x256xf32, #tpu.memory_space<hbm>> -> memref<24x256xf32, #tpu.memory_space<hbm>>
    %dma_start3A_91 = arith.constant 0 : i32
    %dma_start3A_92 = tpu.memref_slice %arg3[%add3A_87, %mul3A_18, %dma_start3A_91] : memref<256x384x256xf32, #tpu.memory_space<hbm>> -> memref<1x24x256xf32, #tpu.memory_space<hbm>>
    %dma_start3A_93 = tpu.memref_squeeze %dma_start3A_92 : memref<1x24x256xf32, #tpu.memory_space<hbm>> -> memref<24x256xf32, #tpu.memory_space<hbm>>
    tpu.enqueue_dma source(%arg4 : memref<24x256xf32, #tpu.memory_space<vmem>>) target(%dma_start3A_93 : memref<24x256xf32, #tpu.memory_space<hbm>>) target_semaphore(%arg5 : memref<!tpu.dma_semaphore, #tpu.memory_space<semaphore_mem>>)
    %add3A_94 = arith.constant 0 : i32
    %add3A_95 = arith.addi %mul3A_34, %add3A_94 : i32
    %add3A_96 = arith.constant 6 : i32
    %add3A_97 = arith.addi %add3A_95, %add3A_96 : i32
    %dma_start3A_98 = arith.constant 0 : i32
    %dma_start3A_99 = tpu.memref_slice %arg3[%add3A_97, %mul3A_18, %dma_start3A_98] : memref<256x384x256xf32, #tpu.memory_space<hbm>> -> memref<1x24x256xf32, #tpu.memory_space<hbm>>
    %dma_start3A_100 = tpu.memref_squeeze %dma_start3A_99 : memref<1x24x256xf32, #tpu.memory_space<hbm>> -> memref<24x256xf32, #tpu.memory_space<hbm>>
    %dma_start3A_101 = arith.constant 0 : i32
    %dma_start3A_102 = tpu.memref_slice %arg3[%add3A_97, %mul3A_18, %dma_start3A_101] : memref<256x384x256xf32, #tpu.memory_space<hbm>> -> memref<1x24x256xf32, #tpu.memory_space<hbm>>
    %dma_start3A_103 = tpu.memref_squeeze %dma_start3A_102 : memref<1x24x256xf32, #tpu.memory_space<hbm>> -> memref<24x256xf32, #tpu.memory_space<hbm>>
    tpu.enqueue_dma source(%arg4 : memref<24x256xf32, #tpu.memory_space<vmem>>) target(%dma_start3A_103 : memref<24x256xf32, #tpu.memory_space<hbm>>) target_semaphore(%arg5 : memref<!tpu.dma_semaphore, #tpu.memory_space<semaphore_mem>>)
    %add3A_104 = arith.constant 0 : i32
    %add3A_105 = arith.addi %mul3A_34, %add3A_104 : i32
    %add3A_106 = arith.constant 7 : i32
    %add3A_107 = arith.addi %add3A_105, %add3A_106 : i32
    %dma_start3A_108 = arith.constant 0 : i32
    %dma_start3A_109 = tpu.memref_slice %arg3[%add3A_107, %mul3A_18, %dma_start3A_108] : memref<256x384x256xf32, #tpu.memory_space<hbm>> -> memref<1x24x256xf32, #tpu.memory_space<hbm>>
    %dma_start3A_110 = tpu.memref_squeeze %dma_start3A_109 : memref<1x24x256xf32, #tpu.memory_space<hbm>> -> memref<24x256xf32, #tpu.memory_space<hbm>>
    %dma_start3A_111 = arith.constant 0 : i32
    %dma_start3A_112 = tpu.memref_slice %arg3[%add3A_107, %mul3A_18, %dma_start3A_111] : memref<256x384x256xf32, #tpu.memory_space<hbm>> -> memref<1x24x256xf32, #tpu.memory_space<hbm>>
    %dma_start3A_113 = tpu.memref_squeeze %dma_start3A_112 : memref<1x24x256xf32, #tpu.memory_space<hbm>> -> memref<24x256xf32, #tpu.memory_space<hbm>>
    tpu.enqueue_dma source(%arg4 : memref<24x256xf32, #tpu.memory_space<vmem>>) target(%dma_start3A_113 : memref<24x256xf32, #tpu.memory_space<hbm>>) target_semaphore(%arg5 : memref<!tpu.dma_semaphore, #tpu.memory_space<semaphore_mem>>)
    %scan3A = arith.constant 0 : i32
    %scan3A_114 = arith.constant 15 : i32
    %scan3A_115 = arith.addi %scan3A, %scan3A_114 : i32
    %scan3A_116 = arith.constant 1 : i32
    scf.for %scan3A_173 = %scan3A to %scan3A_115 step %scan3A_116  : i32 {
      %add3A_174 = arith.constant 1 : i32
      %add3A_175 = arith.addi %scan3A_173, %add3A_174 : i32
      %mul3A_176 = arith.constant 8 : i32
      %mul3A_177 = arith.muli %add3A_175, %mul3A_176 : i32
      %add3A_178 = arith.addi %mul3A_34, %mul3A_177 : i32
      %add3A_179 = arith.constant 0 : i32
      %add3A_180 = arith.addi %add3A_178, %add3A_179 : i32
      %dma_start3A_181 = arith.constant 0 : i32
      %dma_start3A_182 = tpu.memref_slice %arg3[%add3A_180, %mul3A_18, %dma_start3A_181] : memref<256x384x256xf32, #tpu.memory_space<hbm>> -> memref<1x24x256xf32, #tpu.memory_space<hbm>>
      %dma_start3A_183 = tpu.memref_squeeze %dma_start3A_182 : memref<1x24x256xf32, #tpu.memory_space<hbm>> -> memref<24x256xf32, #tpu.memory_space<hbm>>
      %dma_start3A_184 = arith.constant 0 : i32
      %dma_start3A_185 = tpu.memref_slice %arg3[%add3A_180, %mul3A_18, %dma_start3A_184] : memref<256x384x256xf32, #tpu.memory_space<hbm>> -> memref<1x24x256xf32, #tpu.memory_space<hbm>>
      %dma_start3A_186 = tpu.memref_squeeze %dma_start3A_185 : memref<1x24x256xf32, #tpu.memory_space<hbm>> -> memref<24x256xf32, #tpu.memory_space<hbm>>
      tpu.enqueue_dma source(%arg4 : memref<24x256xf32, #tpu.memory_space<vmem>>) target(%dma_start3A_186 : memref<24x256xf32, #tpu.memory_space<hbm>>) target_semaphore(%arg5 : memref<!tpu.dma_semaphore, #tpu.memory_space<semaphore_mem>>)
      %add3A_187 = arith.addi %mul3A_34, %mul3A_177 : i32
      %add3A_188 = arith.constant 1 : i32
      %add3A_189 = arith.addi %add3A_187, %add3A_188 : i32
      %dma_start3A_190 = arith.constant 0 : i32
      %dma_start3A_191 = tpu.memref_slice %arg3[%add3A_189, %mul3A_18, %dma_start3A_190] : memref<256x384x256xf32, #tpu.memory_space<hbm>> -> memref<1x24x256xf32, #tpu.memory_space<hbm>>
      %dma_start3A_192 = tpu.memref_squeeze %dma_start3A_191 : memref<1x24x256xf32, #tpu.memory_space<hbm>> -> memref<24x256xf32, #tpu.memory_space<hbm>>
      %dma_start3A_193 = arith.constant 0 : i32
      %dma_start3A_194 = tpu.memref_slice %arg3[%add3A_189, %mul3A_18, %dma_start3A_193] : memref<256x384x256xf32, #tpu.memory_space<hbm>> -> memref<1x24x256xf32, #tpu.memory_space<hbm>>
      %dma_start3A_195 = tpu.memref_squeeze %dma_start3A_194 : memref<1x24x256xf32, #tpu.memory_space<hbm>> -> memref<24x256xf32, #tpu.memory_space<hbm>>
      tpu.enqueue_dma source(%arg4 : memref<24x256xf32, #tpu.memory_space<vmem>>) target(%dma_start3A_195 : memref<24x256xf32, #tpu.memory_space<hbm>>) target_semaphore(%arg5 : memref<!tpu.dma_semaphore, #tpu.memory_space<semaphore_mem>>)
      %add3A_196 = arith.addi %mul3A_34, %mul3A_177 : i32
      %add3A_197 = arith.constant 2 : i32
      %add3A_198 = arith.addi %add3A_196, %add3A_197 : i32
      %dma_start3A_199 = arith.constant 0 : i32
      %dma_start3A_200 = tpu.memref_slice %arg3[%add3A_198, %mul3A_18, %dma_start3A_199] : memref<256x384x256xf32, #tpu.memory_space<hbm>> -> memref<1x24x256xf32, #tpu.memory_space<hbm>>
      %dma_start3A_201 = tpu.memref_squeeze %dma_start3A_200 : memref<1x24x256xf32, #tpu.memory_space<hbm>> -> memref<24x256xf32, #tpu.memory_space<hbm>>
      %dma_start3A_202 = arith.constant 0 : i32
      %dma_start3A_203 = tpu.memref_slice %arg3[%add3A_198, %mul3A_18, %dma_start3A_202] : memref<256x384x256xf32, #tpu.memory_space<hbm>> -> memref<1x24x256xf32, #tpu.memory_space<hbm>>
      %dma_start3A_204 = tpu.memref_squeeze %dma_start3A_203 : memref<1x24x256xf32, #tpu.memory_space<hbm>> -> memref<24x256xf32, #tpu.memory_space<hbm>>
      tpu.enqueue_dma source(%arg4 : memref<24x256xf32, #tpu.memory_space<vmem>>) target(%dma_start3A_204 : memref<24x256xf32, #tpu.memory_space<hbm>>) target_semaphore(%arg5 : memref<!tpu.dma_semaphore, #tpu.memory_space<semaphore_mem>>)
      %add3A_205 = arith.addi %mul3A_34, %mul3A_177 : i32
      %add3A_206 = arith.constant 3 : i32
      %add3A_207 = arith.addi %add3A_205, %add3A_206 : i32
      %dma_start3A_208 = arith.constant 0 : i32
      %dma_start3A_209 = tpu.memref_slice %arg3[%add3A_207, %mul3A_18, %dma_start3A_208] : memref<256x384x256xf32, #tpu.memory_space<hbm>> -> memref<1x24x256xf32, #tpu.memory_space<hbm>>
      %dma_start3A_210 = tpu.memref_squeeze %dma_start3A_209 : memref<1x24x256xf32, #tpu.memory_space<hbm>> -> memref<24x256xf32, #tpu.memory_space<hbm>>
      %dma_start3A_211 = arith.constant 0 : i32
      %dma_start3A_212 = tpu.memref_slice %arg3[%add3A_207, %mul3A_18, %dma_start3A_211] : memref<256x384x256xf32, #tpu.memory_space<hbm>> -> memref<1x24x256xf32, #tpu.memory_space<hbm>>
      %dma_start3A_213 = tpu.memref_squeeze %dma_start3A_212 : memref<1x24x256xf32, #tpu.memory_space<hbm>> -> memref<24x256xf32, #tpu.memory_space<hbm>>
      tpu.enqueue_dma source(%arg4 : memref<24x256xf32, #tpu.memory_space<vmem>>) target(%dma_start3A_213 : memref<24x256xf32, #tpu.memory_space<hbm>>) target_semaphore(%arg5 : memref<!tpu.dma_semaphore, #tpu.memory_space<semaphore_mem>>)
      %add3A_214 = arith.addi %mul3A_34, %mul3A_177 : i32
      %add3A_215 = arith.constant 4 : i32
      %add3A_216 = arith.addi %add3A_214, %add3A_215 : i32
      %dma_start3A_217 = arith.constant 0 : i32
      %dma_start3A_218 = tpu.memref_slice %arg3[%add3A_216, %mul3A_18, %dma_start3A_217] : memref<256x384x256xf32, #tpu.memory_space<hbm>> -> memref<1x24x256xf32, #tpu.memory_space<hbm>>
      %dma_start3A_219 = tpu.memref_squeeze %dma_start3A_218 : memref<1x24x256xf32, #tpu.memory_space<hbm>> -> memref<24x256xf32, #tpu.memory_space<hbm>>
      %dma_start3A_220 = arith.constant 0 : i32
      %dma_start3A_221 = tpu.memref_slice %arg3[%add3A_216, %mul3A_18, %dma_start3A_220] : memref<256x384x256xf32, #tpu.memory_space<hbm>> -> memref<1x24x256xf32, #tpu.memory_space<hbm>>
      %dma_start3A_222 = tpu.memref_squeeze %dma_start3A_221 : memref<1x24x256xf32, #tpu.memory_space<hbm>> -> memref<24x256xf32, #tpu.memory_space<hbm>>
      tpu.enqueue_dma source(%arg4 : memref<24x256xf32, #tpu.memory_space<vmem>>) target(%dma_start3A_222 : memref<24x256xf32, #tpu.memory_space<hbm>>) target_semaphore(%arg5 : memref<!tpu.dma_semaphore, #tpu.memory_space<semaphore_mem>>)
      %add3A_223 = arith.addi %mul3A_34, %mul3A_177 : i32
      %add3A_224 = arith.constant 5 : i32
      %add3A_225 = arith.addi %add3A_223, %add3A_224 : i32
      %dma_start3A_226 = arith.constant 0 : i32
      %dma_start3A_227 = tpu.memref_slice %arg3[%add3A_225, %mul3A_18, %dma_start3A_226] : memref<256x384x256xf32, #tpu.memory_space<hbm>> -> memref<1x24x256xf32, #tpu.memory_space<hbm>>
      %dma_start3A_228 = tpu.memref_squeeze %dma_start3A_227 : memref<1x24x256xf32, #tpu.memory_space<hbm>> -> memref<24x256xf32, #tpu.memory_space<hbm>>
      %dma_start3A_229 = arith.constant 0 : i32
      %dma_start3A_230 = tpu.memref_slice %arg3[%add3A_225, %mul3A_18, %dma_start3A_229] : memref<256x384x256xf32, #tpu.memory_space<hbm>> -> memref<1x24x256xf32, #tpu.memory_space<hbm>>
      %dma_start3A_231 = tpu.memref_squeeze %dma_start3A_230 : memref<1x24x256xf32, #tpu.memory_space<hbm>> -> memref<24x256xf32, #tpu.memory_space<hbm>>
      tpu.enqueue_dma source(%arg4 : memref<24x256xf32, #tpu.memory_space<vmem>>) target(%dma_start3A_231 : memref<24x256xf32, #tpu.memory_space<hbm>>) target_semaphore(%arg5 : memref<!tpu.dma_semaphore, #tpu.memory_space<semaphore_mem>>)
      %add3A_232 = arith.addi %mul3A_34, %mul3A_177 : i32
      %add3A_233 = arith.constant 6 : i32
      %add3A_234 = arith.addi %add3A_232, %add3A_233 : i32
      %dma_start3A_235 = arith.constant 0 : i32
      %dma_start3A_236 = tpu.memref_slice %arg3[%add3A_234, %mul3A_18, %dma_start3A_235] : memref<256x384x256xf32, #tpu.memory_space<hbm>> -> memref<1x24x256xf32, #tpu.memory_space<hbm>>
      %dma_start3A_237 = tpu.memref_squeeze %dma_start3A_236 : memref<1x24x256xf32, #tpu.memory_space<hbm>> -> memref<24x256xf32, #tpu.memory_space<hbm>>
      %dma_start3A_238 = arith.constant 0 : i32
      %dma_start3A_239 = tpu.memref_slice %arg3[%add3A_234, %mul3A_18, %dma_start3A_238] : memref<256x384x256xf32, #tpu.memory_space<hbm>> -> memref<1x24x256xf32, #tpu.memory_space<hbm>>
      %dma_start3A_240 = tpu.memref_squeeze %dma_start3A_239 : memref<1x24x256xf32, #tpu.memory_space<hbm>> -> memref<24x256xf32, #tpu.memory_space<hbm>>
      tpu.enqueue_dma source(%arg4 : memref<24x256xf32, #tpu.memory_space<vmem>>) target(%dma_start3A_240 : memref<24x256xf32, #tpu.memory_space<hbm>>) target_semaphore(%arg5 : memref<!tpu.dma_semaphore, #tpu.memory_space<semaphore_mem>>)
      %add3A_241 = arith.addi %mul3A_34, %mul3A_177 : i32
      %add3A_242 = arith.constant 7 : i32
      %add3A_243 = arith.addi %add3A_241, %add3A_242 : i32
      %dma_start3A_244 = arith.constant 0 : i32
      %dma_start3A_245 = tpu.memref_slice %arg3[%add3A_243, %mul3A_18, %dma_start3A_244] : memref<256x384x256xf32, #tpu.memory_space<hbm>> -> memref<1x24x256xf32, #tpu.memory_space<hbm>>
      %dma_start3A_246 = tpu.memref_squeeze %dma_start3A_245 : memref<1x24x256xf32, #tpu.memory_space<hbm>> -> memref<24x256xf32, #tpu.memory_space<hbm>>
      %dma_start3A_247 = arith.constant 0 : i32
      %dma_start3A_248 = tpu.memref_slice %arg3[%add3A_243, %mul3A_18, %dma_start3A_247] : memref<256x384x256xf32, #tpu.memory_space<hbm>> -> memref<1x24x256xf32, #tpu.memory_space<hbm>>
      %dma_start3A_249 = tpu.memref_squeeze %dma_start3A_248 : memref<1x24x256xf32, #tpu.memory_space<hbm>> -> memref<24x256xf32, #tpu.memory_space<hbm>>
      tpu.enqueue_dma source(%arg4 : memref<24x256xf32, #tpu.memory_space<vmem>>) target(%dma_start3A_249 : memref<24x256xf32, #tpu.memory_space<hbm>>) target_semaphore(%arg5 : memref<!tpu.dma_semaphore, #tpu.memory_space<semaphore_mem>>)
      %dma_wait3A_250 = arith.constant 0 : i32
      %dma_wait3A_251 = arith.constant 0 : i32
      %dma_wait3A_252 = tpu.memref_slice %arg3[%dma_wait3A_250, %mul3A_18, %dma_wait3A_251] : memref<256x384x256xf32, #tpu.memory_space<hbm>> -> memref<1x24x256xf32, #tpu.memory_space<hbm>>
      %dma_wait3A_253 = tpu.memref_squeeze %dma_wait3A_252 : memref<1x24x256xf32, #tpu.memory_space<hbm>> -> memref<24x256xf32, #tpu.memory_space<hbm>>
      %dma_wait3A_254 = arith.constant 0 : i32
      %dma_wait3A_255 = tpu.memref_slice %arg3[%dma_wait3A_250, %mul3A_18, %dma_wait3A_254] : memref<256x384x256xf32, #tpu.memory_space<hbm>> -> memref<1x24x256xf32, #tpu.memory_space<hbm>>
      %dma_wait3A_256 = tpu.memref_squeeze %dma_wait3A_255 : memref<1x24x256xf32, #tpu.memory_space<hbm>> -> memref<24x256xf32, #tpu.memory_space<hbm>>
      tpu.wait_dma2 semaphore(%arg5 : memref<!tpu.dma_semaphore, #tpu.memory_space<semaphore_mem>>) src(%arg4 : memref<24x256xf32, #tpu.memory_space<vmem>>) dst(%dma_wait3A_256 : memref<24x256xf32, #tpu.memory_space<hbm>>)
      %dma_wait3A_257 = arith.constant 0 : i32
      %dma_wait3A_258 = arith.constant 0 : i32
      %dma_wait3A_259 = tpu.memref_slice %arg3[%dma_wait3A_257, %mul3A_18, %dma_wait3A_258] : memref<256x384x256xf32, #tpu.memory_space<hbm>> -> memref<1x24x256xf32, #tpu.memory_space<hbm>>
      %dma_wait3A_260 = tpu.memref_squeeze %dma_wait3A_259 : memref<1x24x256xf32, #tpu.memory_space<hbm>> -> memref<24x256xf32, #tpu.memory_space<hbm>>
      %dma_wait3A_261 = arith.constant 0 : i32
      %dma_wait3A_262 = tpu.memref_slice %arg3[%dma_wait3A_257, %mul3A_18, %dma_wait3A_261] : memref<256x384x256xf32, #tpu.memory_space<hbm>> -> memref<1x24x256xf32, #tpu.memory_space<hbm>>
      %dma_wait3A_263 = tpu.memref_squeeze %dma_wait3A_262 : memref<1x24x256xf32, #tpu.memory_space<hbm>> -> memref<24x256xf32, #tpu.memory_space<hbm>>
      tpu.wait_dma2 semaphore(%arg5 : memref<!tpu.dma_semaphore, #tpu.memory_space<semaphore_mem>>) src(%arg4 : memref<24x256xf32, #tpu.memory_space<vmem>>) dst(%dma_wait3A_263 : memref<24x256xf32, #tpu.memory_space<hbm>>)
      %dma_wait3A_264 = arith.constant 0 : i32
      %dma_wait3A_265 = arith.constant 0 : i32
      %dma_wait3A_266 = tpu.memref_slice %arg3[%dma_wait3A_264, %mul3A_18, %dma_wait3A_265] : memref<256x384x256xf32, #tpu.memory_space<hbm>> -> memref<1x24x256xf32, #tpu.memory_space<hbm>>
      %dma_wait3A_267 = tpu.memref_squeeze %dma_wait3A_266 : memref<1x24x256xf32, #tpu.memory_space<hbm>> -> memref<24x256xf32, #tpu.memory_space<hbm>>
      %dma_wait3A_268 = arith.constant 0 : i32
      %dma_wait3A_269 = tpu.memref_slice %arg3[%dma_wait3A_264, %mul3A_18, %dma_wait3A_268] : memref<256x384x256xf32, #tpu.memory_space<hbm>> -> memref<1x24x256xf32, #tpu.memory_space<hbm>>
      %dma_wait3A_270 = tpu.memref_squeeze %dma_wait3A_269 : memref<1x24x256xf32, #tpu.memory_space<hbm>> -> memref<24x256xf32, #tpu.memory_space<hbm>>
      tpu.wait_dma2 semaphore(%arg5 : memref<!tpu.dma_semaphore, #tpu.memory_space<semaphore_mem>>) src(%arg4 : memref<24x256xf32, #tpu.memory_space<vmem>>) dst(%dma_wait3A_270 : memref<24x256xf32, #tpu.memory_space<hbm>>)
      %dma_wait3A_271 = arith.constant 0 : i32
      %dma_wait3A_272 = arith.constant 0 : i32
      %dma_wait3A_273 = tpu.memref_slice %arg3[%dma_wait3A_271, %mul3A_18, %dma_wait3A_272] : memref<256x384x256xf32, #tpu.memory_space<hbm>> -> memref<1x24x256xf32, #tpu.memory_space<hbm>>
      %dma_wait3A_274 = tpu.memref_squeeze %dma_wait3A_273 : memref<1x24x256xf32, #tpu.memory_space<hbm>> -> memref<24x256xf32, #tpu.memory_space<hbm>>
      %dma_wait3A_275 = arith.constant 0 : i32
      %dma_wait3A_276 = tpu.memref_slice %arg3[%dma_wait3A_271, %mul3A_18, %dma_wait3A_275] : memref<256x384x256xf32, #tpu.memory_space<hbm>> -> memref<1x24x256xf32, #tpu.memory_space<hbm>>
      %dma_wait3A_277 = tpu.memref_squeeze %dma_wait3A_276 : memref<1x24x256xf32, #tpu.memory_space<hbm>> -> memref<24x256xf32, #tpu.memory_space<hbm>>
      tpu.wait_dma2 semaphore(%arg5 : memref<!tpu.dma_semaphore, #tpu.memory_space<semaphore_mem>>) src(%arg4 : memref<24x256xf32, #tpu.memory_space<vmem>>) dst(%dma_wait3A_277 : memref<24x256xf32, #tpu.memory_space<hbm>>)
      %dma_wait3A_278 = arith.constant 0 : i32
      %dma_wait3A_279 = arith.constant 0 : i32
      %dma_wait3A_280 = tpu.memref_slice %arg3[%dma_wait3A_278, %mul3A_18, %dma_wait3A_279] : memref<256x384x256xf32, #tpu.memory_space<hbm>> -> memref<1x24x256xf32, #tpu.memory_space<hbm>>
      %dma_wait3A_281 = tpu.memref_squeeze %dma_wait3A_280 : memref<1x24x256xf32, #tpu.memory_space<hbm>> -> memref<24x256xf32, #tpu.memory_space<hbm>>
      %dma_wait3A_282 = arith.constant 0 : i32
      %dma_wait3A_283 = tpu.memref_slice %arg3[%dma_wait3A_278, %mul3A_18, %dma_wait3A_282] : memref<256x384x256xf32, #tpu.memory_space<hbm>> -> memref<1x24x256xf32, #tpu.memory_space<hbm>>
      %dma_wait3A_284 = tpu.memref_squeeze %dma_wait3A_283 : memref<1x24x256xf32, #tpu.memory_space<hbm>> -> memref<24x256xf32, #tpu.memory_space<hbm>>
      tpu.wait_dma2 semaphore(%arg5 : memref<!tpu.dma_semaphore, #tpu.memory_space<semaphore_mem>>) src(%arg4 : memref<24x256xf32, #tpu.memory_space<vmem>>) dst(%dma_wait3A_284 : memref<24x256xf32, #tpu.memory_space<hbm>>)
      %dma_wait3A_285 = arith.constant 0 : i32
      %dma_wait3A_286 = arith.constant 0 : i32
      %dma_wait3A_287 = tpu.memref_slice %arg3[%dma_wait3A_285, %mul3A_18, %dma_wait3A_286] : memref<256x384x256xf32, #tpu.memory_space<hbm>> -> memref<1x24x256xf32, #tpu.memory_space<hbm>>
      %dma_wait3A_288 = tpu.memref_squeeze %dma_wait3A_287 : memref<1x24x256xf32, #tpu.memory_space<hbm>> -> memref<24x256xf32, #tpu.memory_space<hbm>>
      %dma_wait3A_289 = arith.constant 0 : i32
      %dma_wait3A_290 = tpu.memref_slice %arg3[%dma_wait3A_285, %mul3A_18, %dma_wait3A_289] : memref<256x384x256xf32, #tpu.memory_space<hbm>> -> memref<1x24x256xf32, #tpu.memory_space<hbm>>
      %dma_wait3A_291 = tpu.memref_squeeze %dma_wait3A_290 : memref<1x24x256xf32, #tpu.memory_space<hbm>> -> memref<24x256xf32, #tpu.memory_space<hbm>>
      tpu.wait_dma2 semaphore(%arg5 : memref<!tpu.dma_semaphore, #tpu.memory_space<semaphore_mem>>) src(%arg4 : memref<24x256xf32, #tpu.memory_space<vmem>>) dst(%dma_wait3A_291 : memref<24x256xf32, #tpu.memory_space<hbm>>)
      %dma_wait3A_292 = arith.constant 0 : i32
      %dma_wait3A_293 = arith.constant 0 : i32
      %dma_wait3A_294 = tpu.memref_slice %arg3[%dma_wait3A_292, %mul3A_18, %dma_wait3A_293] : memref<256x384x256xf32, #tpu.memory_space<hbm>> -> memref<1x24x256xf32, #tpu.memory_space<hbm>>
      %dma_wait3A_295 = tpu.memref_squeeze %dma_wait3A_294 : memref<1x24x256xf32, #tpu.memory_space<hbm>> -> memref<24x256xf32, #tpu.memory_space<hbm>>
      %dma_wait3A_296 = arith.constant 0 : i32
      %dma_wait3A_297 = tpu.memref_slice %arg3[%dma_wait3A_292, %mul3A_18, %dma_wait3A_296] : memref<256x384x256xf32, #tpu.memory_space<hbm>> -> memref<1x24x256xf32, #tpu.memory_space<hbm>>
      %dma_wait3A_298 = tpu.memref_squeeze %dma_wait3A_297 : memref<1x24x256xf32, #tpu.memory_space<hbm>> -> memref<24x256xf32, #tpu.memory_space<hbm>>
      tpu.wait_dma2 semaphore(%arg5 : memref<!tpu.dma_semaphore, #tpu.memory_space<semaphore_mem>>) src(%arg4 : memref<24x256xf32, #tpu.memory_space<vmem>>) dst(%dma_wait3A_298 : memref<24x256xf32, #tpu.memory_space<hbm>>)
      %dma_wait3A_299 = arith.constant 0 : i32
      %dma_wait3A_300 = arith.constant 0 : i32
      %dma_wait3A_301 = tpu.memref_slice %arg3[%dma_wait3A_299, %mul3A_18, %dma_wait3A_300] : memref<256x384x256xf32, #tpu.memory_space<hbm>> -> memref<1x24x256xf32, #tpu.memory_space<hbm>>
      %dma_wait3A_302 = tpu.memref_squeeze %dma_wait3A_301 : memref<1x24x256xf32, #tpu.memory_space<hbm>> -> memref<24x256xf32, #tpu.memory_space<hbm>>
      %dma_wait3A_303 = arith.constant 0 : i32
      %dma_wait3A_304 = tpu.memref_slice %arg3[%dma_wait3A_299, %mul3A_18, %dma_wait3A_303] : memref<256x384x256xf32, #tpu.memory_space<hbm>> -> memref<1x24x256xf32, #tpu.memory_space<hbm>>
      %dma_wait3A_305 = tpu.memref_squeeze %dma_wait3A_304 : memref<1x24x256xf32, #tpu.memory_space<hbm>> -> memref<24x256xf32, #tpu.memory_space<hbm>>
      tpu.wait_dma2 semaphore(%arg5 : memref<!tpu.dma_semaphore, #tpu.memory_space<semaphore_mem>>) src(%arg4 : memref<24x256xf32, #tpu.memory_space<vmem>>) dst(%dma_wait3A_305 : memref<24x256xf32, #tpu.memory_space<hbm>>)
    }
    %scan3A_117 = arith.constant 15 : i32
    %dma_wait3A = arith.constant 0 : i32
    %dma_wait3A_118 = arith.constant 0 : i32
    %dma_wait3A_119 = tpu.memref_slice %arg3[%dma_wait3A, %mul3A_18, %dma_wait3A_118] : memref<256x384x256xf32, #tpu.memory_space<hbm>> -> memref<1x24x256xf32, #tpu.memory_space<hbm>>
    %dma_wait3A_120 = tpu.memref_squeeze %dma_wait3A_119 : memref<1x24x256xf32, #tpu.memory_space<hbm>> -> memref<24x256xf32, #tpu.memory_space<hbm>>
    %dma_wait3A_121 = arith.constant 0 : i32
    %dma_wait3A_122 = tpu.memref_slice %arg3[%dma_wait3A, %mul3A_18, %dma_wait3A_121] : memref<256x384x256xf32, #tpu.memory_space<hbm>> -> memref<1x24x256xf32, #tpu.memory_space<hbm>>
    %dma_wait3A_123 = tpu.memref_squeeze %dma_wait3A_122 : memref<1x24x256xf32, #tpu.memory_space<hbm>> -> memref<24x256xf32, #tpu.memory_space<hbm>>
    tpu.wait_dma2 semaphore(%arg5 : memref<!tpu.dma_semaphore, #tpu.memory_space<semaphore_mem>>) src(%arg4 : memref<24x256xf32, #tpu.memory_space<vmem>>) dst(%dma_wait3A_123 : memref<24x256xf32, #tpu.memory_space<hbm>>)
    %dma_wait3A_124 = arith.constant 0 : i32
    %dma_wait3A_125 = arith.constant 0 : i32
    %dma_wait3A_126 = tpu.memref_slice %arg3[%dma_wait3A_124, %mul3A_18, %dma_wait3A_125] : memref<256x384x256xf32, #tpu.memory_space<hbm>> -> memref<1x24x256xf32, #tpu.memory_space<hbm>>
    %dma_wait3A_127 = tpu.memref_squeeze %dma_wait3A_126 : memref<1x24x256xf32, #tpu.memory_space<hbm>> -> memref<24x256xf32, #tpu.memory_space<hbm>>
    %dma_wait3A_128 = arith.constant 0 : i32
    %dma_wait3A_129 = tpu.memref_slice %arg3[%dma_wait3A_124, %mul3A_18, %dma_wait3A_128] : memref<256x384x256xf32, #tpu.memory_space<hbm>> -> memref<1x24x256xf32, #tpu.memory_space<hbm>>
    %dma_wait3A_130 = tpu.memref_squeeze %dma_wait3A_129 : memref<1x24x256xf32, #tpu.memory_space<hbm>> -> memref<24x256xf32, #tpu.memory_space<hbm>>
    tpu.wait_dma2 semaphore(%arg5 : memref<!tpu.dma_semaphore, #tpu.memory_space<semaphore_mem>>) src(%arg4 : memref<24x256xf32, #tpu.memory_space<vmem>>) dst(%dma_wait3A_130 : memref<24x256xf32, #tpu.memory_space<hbm>>)
    %dma_wait3A_131 = arith.constant 0 : i32
    %dma_wait3A_132 = arith.constant 0 : i32
    %dma_wait3A_133 = tpu.memref_slice %arg3[%dma_wait3A_131, %mul3A_18, %dma_wait3A_132] : memref<256x384x256xf32, #tpu.memory_space<hbm>> -> memref<1x24x256xf32, #tpu.memory_space<hbm>>
    %dma_wait3A_134 = tpu.memref_squeeze %dma_wait3A_133 : memref<1x24x256xf32, #tpu.memory_space<hbm>> -> memref<24x256xf32, #tpu.memory_space<hbm>>
    %dma_wait3A_135 = arith.constant 0 : i32
    %dma_wait3A_136 = tpu.memref_slice %arg3[%dma_wait3A_131, %mul3A_18, %dma_wait3A_135] : memref<256x384x256xf32, #tpu.memory_space<hbm>> -> memref<1x24x256xf32, #tpu.memory_space<hbm>>
    %dma_wait3A_137 = tpu.memref_squeeze %dma_wait3A_136 : memref<1x24x256xf32, #tpu.memory_space<hbm>> -> memref<24x256xf32, #tpu.memory_space<hbm>>
    tpu.wait_dma2 semaphore(%arg5 : memref<!tpu.dma_semaphore, #tpu.memory_space<semaphore_mem>>) src(%arg4 : memref<24x256xf32, #tpu.memory_space<vmem>>) dst(%dma_wait3A_137 : memref<24x256xf32, #tpu.memory_space<hbm>>)
    %dma_wait3A_138 = arith.constant 0 : i32
    %dma_wait3A_139 = arith.constant 0 : i32
    %dma_wait3A_140 = tpu.memref_slice %arg3[%dma_wait3A_138, %mul3A_18, %dma_wait3A_139] : memref<256x384x256xf32, #tpu.memory_space<hbm>> -> memref<1x24x256xf32, #tpu.memory_space<hbm>>
    %dma_wait3A_141 = tpu.memref_squeeze %dma_wait3A_140 : memref<1x24x256xf32, #tpu.memory_space<hbm>> -> memref<24x256xf32, #tpu.memory_space<hbm>>
    %dma_wait3A_142 = arith.constant 0 : i32
    %dma_wait3A_143 = tpu.memref_slice %arg3[%dma_wait3A_138, %mul3A_18, %dma_wait3A_142] : memref<256x384x256xf32, #tpu.memory_space<hbm>> -> memref<1x24x256xf32, #tpu.memory_space<hbm>>
    %dma_wait3A_144 = tpu.memref_squeeze %dma_wait3A_143 : memref<1x24x256xf32, #tpu.memory_space<hbm>> -> memref<24x256xf32, #tpu.memory_space<hbm>>
    tpu.wait_dma2 semaphore(%arg5 : memref<!tpu.dma_semaphore, #tpu.memory_space<semaphore_mem>>) src(%arg4 : memref<24x256xf32, #tpu.memory_space<vmem>>) dst(%dma_wait3A_144 : memref<24x256xf32, #tpu.memory_space<hbm>>)
    %dma_wait3A_145 = arith.constant 0 : i32
    %dma_wait3A_146 = arith.constant 0 : i32
    %dma_wait3A_147 = tpu.memref_slice %arg3[%dma_wait3A_145, %mul3A_18, %dma_wait3A_146] : memref<256x384x256xf32, #tpu.memory_space<hbm>> -> memref<1x24x256xf32, #tpu.memory_space<hbm>>
    %dma_wait3A_148 = tpu.memref_squeeze %dma_wait3A_147 : memref<1x24x256xf32, #tpu.memory_space<hbm>> -> memref<24x256xf32, #tpu.memory_space<hbm>>
    %dma_wait3A_149 = arith.constant 0 : i32
    %dma_wait3A_150 = tpu.memref_slice %arg3[%dma_wait3A_145, %mul3A_18, %dma_wait3A_149] : memref<256x384x256xf32, #tpu.memory_space<hbm>> -> memref<1x24x256xf32, #tpu.memory_space<hbm>>
    %dma_wait3A_151 = tpu.memref_squeeze %dma_wait3A_150 : memref<1x24x256xf32, #tpu.memory_space<hbm>> -> memref<24x256xf32, #tpu.memory_space<hbm>>
    tpu.wait_dma2 semaphore(%arg5 : memref<!tpu.dma_semaphore, #tpu.memory_space<semaphore_mem>>) src(%arg4 : memref<24x256xf32, #tpu.memory_space<vmem>>) dst(%dma_wait3A_151 : memref<24x256xf32, #tpu.memory_space<hbm>>)
    %dma_wait3A_152 = arith.constant 0 : i32
    %dma_wait3A_153 = arith.constant 0 : i32
    %dma_wait3A_154 = tpu.memref_slice %arg3[%dma_wait3A_152, %mul3A_18, %dma_wait3A_153] : memref<256x384x256xf32, #tpu.memory_space<hbm>> -> memref<1x24x256xf32, #tpu.memory_space<hbm>>
    %dma_wait3A_155 = tpu.memref_squeeze %dma_wait3A_154 : memref<1x24x256xf32, #tpu.memory_space<hbm>> -> memref<24x256xf32, #tpu.memory_space<hbm>>
    %dma_wait3A_156 = arith.constant 0 : i32
    %dma_wait3A_157 = tpu.memref_slice %arg3[%dma_wait3A_152, %mul3A_18, %dma_wait3A_156] : memref<256x384x256xf32, #tpu.memory_space<hbm>> -> memref<1x24x256xf32, #tpu.memory_space<hbm>>
    %dma_wait3A_158 = tpu.memref_squeeze %dma_wait3A_157 : memref<1x24x256xf32, #tpu.memory_space<hbm>> -> memref<24x256xf32, #tpu.memory_space<hbm>>
    tpu.wait_dma2 semaphore(%arg5 : memref<!tpu.dma_semaphore, #tpu.memory_space<semaphore_mem>>) src(%arg4 : memref<24x256xf32, #tpu.memory_space<vmem>>) dst(%dma_wait3A_158 : memref<24x256xf32, #tpu.memory_space<hbm>>)
    %dma_wait3A_159 = arith.constant 0 : i32
    %dma_wait3A_160 = arith.constant 0 : i32
    %dma_wait3A_161 = tpu.memref_slice %arg3[%dma_wait3A_159, %mul3A_18, %dma_wait3A_160] : memref<256x384x256xf32, #tpu.memory_space<hbm>> -> memref<1x24x256xf32, #tpu.memory_space<hbm>>
    %dma_wait3A_162 = tpu.memref_squeeze %dma_wait3A_161 : memref<1x24x256xf32, #tpu.memory_space<hbm>> -> memref<24x256xf32, #tpu.memory_space<hbm>>
    %dma_wait3A_163 = arith.constant 0 : i32
    %dma_wait3A_164 = tpu.memref_slice %arg3[%dma_wait3A_159, %mul3A_18, %dma_wait3A_163] : memref<256x384x256xf32, #tpu.memory_space<hbm>> -> memref<1x24x256xf32, #tpu.memory_space<hbm>>
    %dma_wait3A_165 = tpu.memref_squeeze %dma_wait3A_164 : memref<1x24x256xf32, #tpu.memory_space<hbm>> -> memref<24x256xf32, #tpu.memory_space<hbm>>
    tpu.wait_dma2 semaphore(%arg5 : memref<!tpu.dma_semaphore, #tpu.memory_space<semaphore_mem>>) src(%arg4 : memref<24x256xf32, #tpu.memory_space<vmem>>) dst(%dma_wait3A_165 : memref<24x256xf32, #tpu.memory_space<hbm>>)
    %dma_wait3A_166 = arith.constant 0 : i32
    %dma_wait3A_167 = arith.constant 0 : i32
    %dma_wait3A_168 = tpu.memref_slice %arg3[%dma_wait3A_166, %mul3A_18, %dma_wait3A_167] : memref<256x384x256xf32, #tpu.memory_space<hbm>> -> memref<1x24x256xf32, #tpu.memory_space<hbm>>
    %dma_wait3A_169 = tpu.memref_squeeze %dma_wait3A_168 : memref<1x24x256xf32, #tpu.memory_space<hbm>> -> memref<24x256xf32, #tpu.memory_space<hbm>>
    %dma_wait3A_170 = arith.constant 0 : i32
    %dma_wait3A_171 = tpu.memref_slice %arg3[%dma_wait3A_166, %mul3A_18, %dma_wait3A_170] : memref<256x384x256xf32, #tpu.memory_space<hbm>> -> memref<1x24x256xf32, #tpu.memory_space<hbm>>
    %dma_wait3A_172 = tpu.memref_squeeze %dma_wait3A_171 : memref<1x24x256xf32, #tpu.memory_space<hbm>> -> memref<24x256xf32, #tpu.memory_space<hbm>>
    tpu.wait_dma2 semaphore(%arg5 : memref<!tpu.dma_semaphore, #tpu.memory_space<semaphore_mem>>) src(%arg4 : memref<24x256xf32, #tpu.memory_space<vmem>>) dst(%dma_wait3A_172 : memref<24x256xf32, #tpu.memory_space<hbm>>)
    return
  }
}

module attributes {stable_mosaic.version = 14 : i64} {
  func.func @_proj_body(%arg0: memref<384x21xf32, #tpu.memory_space<vmem>>, %arg1: memref<21x256xf32, #tpu.memory_space<vmem>>, %arg2: memref<21x128xf32, #tpu.memory_space<vmem>>, %arg3: memref<21x128xf32, #tpu.memory_space<vmem>>, %arg4: memref<21x32xf32, #tpu.memory_space<vmem>>, %arg5: memref<65x128xf32, #tpu.memory_space<vmem>>, %arg6: memref<33x128xf32, #tpu.memory_space<vmem>>, %arg7: memref<384x256xf32, #tpu.memory_space<vmem>>, %arg8: memref<384x128xf32, #tpu.memory_space<vmem>>, %arg9: memref<384x128xf32, #tpu.memory_space<vmem>>, %arg10: memref<384x32xf32, #tpu.memory_space<vmem>>, %arg11: memref<128x128xbf16, #tpu.memory_space<vmem>>) attributes {dimension_semantics = [], scalar_prefetch = 0 : i64, scratch_operands = 0 : i64, tpu.core_type = #tpu.core_type<tc>} {
    %get3A = arith.constant 0 : index
    %get3A_0 = arith.constant 0 : index
    %get3A_1 = vector.load %arg0[%get3A, %get3A_0] : memref<384x21xf32, #tpu.memory_space<vmem>>, vector<384x21xf32>
    %get3A_2 = arith.constant 0 : index
    %get3A_3 = arith.constant 0 : index
    %get3A_4 = vector.load %arg1[%get3A_2, %get3A_3] : memref<21x256xf32, #tpu.memory_space<vmem>>, vector<21x256xf32>
    %dot_general3A = arith.constant dense<0.000000e+00> : vector<384x256xf32>
    %dot_general3A_5 = tpu.matmul %get3A_1, %get3A_4, %dot_general3A {dimension_numbers = #tpu.dot_dimension_numbers<[1], [0], [0], [1], [0, 0, 1, 1], [], []>, transpose_lhs_hint = false} : vector<384x21xf32>, vector<21x256xf32>, vector<384x256xf32> -> vector<384x256xf32>
    %swap3A = arith.constant 0 : index
    %swap3A_6 = arith.constant 0 : index
    %swap3A_7 = vector.load %arg7[%swap3A, %swap3A_6] : memref<384x256xf32, #tpu.memory_space<vmem>>, vector<384x256xf32>
    tpu.vector_store %arg7[%swap3A, %swap3A_6], %dot_general3A_5 {strides = array<i32>} : memref<384x256xf32, #tpu.memory_space<vmem>>, vector<384x256xf32>,
    %get3A_8 = arith.constant 0 : index
    %get3A_9 = arith.constant 0 : index
    %get3A_10 = vector.load %arg2[%get3A_8, %get3A_9] : memref<21x128xf32, #tpu.memory_space<vmem>>, vector<21x128xf32>
    %dot_general3A_11 = arith.constant dense<0.000000e+00> : vector<384x128xf32>
    %dot_general3A_12 = tpu.matmul %get3A_1, %get3A_10, %dot_general3A_11 {dimension_numbers = #tpu.dot_dimension_numbers<[1], [0], [0], [1], [0, 0, 1, 1], [], []>, transpose_lhs_hint = false} : vector<384x21xf32>, vector<21x128xf32>, vector<384x128xf32> -> vector<384x128xf32>
    %swap3A_13 = arith.constant 0 : index
    %swap3A_14 = arith.constant 0 : index
    %swap3A_15 = vector.load %arg8[%swap3A_13, %swap3A_14] : memref<384x128xf32, #tpu.memory_space<vmem>>, vector<384x128xf32>
    tpu.vector_store %arg8[%swap3A_13, %swap3A_14], %dot_general3A_12 {strides = array<i32>} : memref<384x128xf32, #tpu.memory_space<vmem>>, vector<384x128xf32>,
    %get3A_16 = arith.constant 0 : index
    %get3A_17 = arith.constant 0 : index
    %get3A_18 = vector.load %arg3[%get3A_16, %get3A_17] : memref<21x128xf32, #tpu.memory_space<vmem>>, vector<21x128xf32>
    %dot_general3A_19 = arith.constant dense<0.000000e+00> : vector<384x128xf32>
    %dot_general3A_20 = tpu.matmul %get3A_1, %get3A_18, %dot_general3A_19 {dimension_numbers = #tpu.dot_dimension_numbers<[1], [0], [0], [1], [0, 0, 1, 1], [], []>, transpose_lhs_hint = false} : vector<384x21xf32>, vector<21x128xf32>, vector<384x128xf32> -> vector<384x128xf32>
    %swap3A_21 = arith.constant 0 : index
    %swap3A_22 = arith.constant 0 : index
    %swap3A_23 = vector.load %arg9[%swap3A_21, %swap3A_22] : memref<384x128xf32, #tpu.memory_space<vmem>>, vector<384x128xf32>
    tpu.vector_store %arg9[%swap3A_21, %swap3A_22], %dot_general3A_20 {strides = array<i32>} : memref<384x128xf32, #tpu.memory_space<vmem>>, vector<384x128xf32>,
    %get3A_24 = arith.constant 0 : index
    %get3A_25 = arith.constant 0 : index
    %get3A_26 = vector.load %arg4[%get3A_24, %get3A_25] : memref<21x32xf32, #tpu.memory_space<vmem>>, vector<21x32xf32>
    %dot_general3A_27 = arith.constant dense<0.000000e+00> : vector<384x32xf32>
    %dot_general3A_28 = tpu.matmul %get3A_1, %get3A_26, %dot_general3A_27 {dimension_numbers = #tpu.dot_dimension_numbers<[1], [0], [0], [1], [0, 0, 1, 1], [], []>, transpose_lhs_hint = false} : vector<384x21xf32>, vector<21x32xf32>, vector<384x32xf32> -> vector<384x32xf32>
    %swap3A_29 = arith.constant 0 : index
    %swap3A_30 = arith.constant 0 : index
    %swap3A_31 = vector.load %arg10[%swap3A_29, %swap3A_30] : memref<384x32xf32, #tpu.memory_space<vmem>>, vector<384x32xf32>
    tpu.vector_store %arg10[%swap3A_29, %swap3A_30], %dot_general3A_28 {strides = array<i32>} : memref<384x32xf32, #tpu.memory_space<vmem>>, vector<384x32xf32>,
    %broadcast_in_dim3A = arith.constant 0.000000e+00 : f32
    %broadcast_in_dim3A_32 = vector.broadcast %broadcast_in_dim3A : f32 to vector<30x128xf32>
    %get3A_33 = arith.constant 0 : index
    %get3A_34 = arith.constant 0 : index
    %get3A_35 = vector.load %arg5[%get3A_33, %get3A_34] : memref<65x128xf32, #tpu.memory_space<vmem>>, vector<65x128xf32>
    %get3A_36 = arith.constant 0 : index
    %get3A_37 = arith.constant 0 : index
    %get3A_38 = vector.load %arg6[%get3A_36, %get3A_37] : memref<33x128xf32, #tpu.memory_space<vmem>>, vector<33x128xf32>
    %concatenate3A = tpu.concatenate %get3A_35, %get3A_38, %broadcast_in_dim3A_32 in 0 : vector<65x128xf32>, vector<33x128xf32>, vector<30x128xf32> -> vector<128x128xf32>
    %convert_element_type3A = arith.truncf %concatenate3A : vector<128x128xf32> to vector<128x128xbf16>
    %swap3A_39 = arith.constant 0 : index
    %swap3A_40 = arith.constant 0 : index
    %swap3A_41 = vector.load %arg11[%swap3A_39, %swap3A_40] : memref<128x128xbf16, #tpu.memory_space<vmem>>, vector<128x128xbf16>
    tpu.vector_store %arg11[%swap3A_39, %swap3A_40], %convert_element_type3A {strides = array<i32>} : memref<128x128xbf16, #tpu.memory_space<vmem>>, vector<128x128xbf16>,
    return
  }
}

module attributes {stable_mosaic.version = 14 : i64} {
  func.func @_pair_body(%arg0: i32, %arg1: memref<1x384xi32, #tpu.memory_space<vmem>>, %arg2: memref<64x1xi32, #tpu.memory_space<vmem>>, %arg3: memref<1x64x384xi32, #tpu.memory_space<vmem>>, %arg4: memref<384x128xf32, #tpu.memory_space<vmem>>, %arg5: memref<64x128xf32, #tpu.memory_space<vmem>>, %arg6: memref<128x128xbf16, #tpu.memory_space<vmem>>, %arg7: memref<64x384x128xf32, #tpu.memory_space<vmem>>) attributes {dimension_semantics = [#tpu.dimension_semantics<arbitrary>], iteration_bounds = array<i64: 6>, scalar_prefetch = 0 : i64, scratch_operands = 0 : i64, tpu.core_type = #tpu.core_type<tc>, window_params = [{pipeline_mode = #tpu.pipeline_mode<synchronous>, transform_indices = @transform_0, window_bounds = array<i64: 1, 384>}, {transform_indices = @transform_1, window_bounds = array<i64: 64, 1>}, {transform_indices = @transform_2, window_bounds = array<i64: 1, 64, 384>}, {pipeline_mode = #tpu.pipeline_mode<synchronous>, transform_indices = @transform_3, window_bounds = array<i64: 384, 128>}, {transform_indices = @transform_4, window_bounds = array<i64: 64, 128>}, {pipeline_mode = #tpu.pipeline_mode<synchronous>, transform_indices = @transform_5, window_bounds = array<i64: 128, 128>}, {transform_indices = @transform_6, window_bounds = array<i64: 64, 384, 128>}]} {
    %get3A = arith.constant 0 : index
    %get3A_0 = arith.constant 0 : index
    %get3A_1 = vector.load %arg2[%get3A, %get3A_0] : memref<64x1xi32, #tpu.memory_space<vmem>>, vector<64x1xi32>
    %get3A_2 = arith.constant 0 : index
    %get3A_3 = arith.constant 0 : index
    %get3A_4 = vector.load %arg1[%get3A_2, %get3A_3] : memref<1x384xi32, #tpu.memory_space<vmem>>, vector<1x384xi32>
    %sub3A = vector.broadcast %get3A_4 : vector<1x384xi32> to vector<64x384xi32>
    %sub3A_5 = vector.broadcast %get3A_1 : vector<64x1xi32> to vector<64x384xi32>
    %sub3A_6 = arith.subi %sub3A, %sub3A_5 : vector<64x384xi32>
    %add3A = arith.constant 32 : i32
    %add3A_7 = vector.broadcast %add3A : i32 to vector<64x384xi32>
    %add3A_8 = arith.addi %sub3A_6, %add3A_7 : vector<64x384xi32>
    %jit3A = arith.constant 0 : i32
    %jit3A_9 = arith.constant 64 : i32
    %max3A = vector.broadcast %jit3A : i32 to vector<64x384xi32>
    %max3A_10 = arith.maxsi %max3A, %add3A_8 : vector<64x384xi32>
    %min3A = vector.broadcast %jit3A_9 : i32 to vector<64x384xi32>
    %min3A_11 = arith.minsi %min3A, %max3A_10 : vector<64x384xi32>
    %shift_left3A = arith.constant 7 : i32
    %shift_left3A_12 = vector.broadcast %shift_left3A : i32 to vector<64x384xi32>
    %shift_left3A_13 = arith.shli %min3A_11, %shift_left3A_12 : vector<64x384xi32>
    %get3A_14 = arith.constant 0 : index
    %get3A_15 = arith.constant 0 : index
    %get3A_16 = arith.constant 0 : index
    %get3A_17 = vector.load %arg3[%get3A_14, %get3A_15, %get3A_16] : memref<1x64x384xi32, #tpu.memory_space<vmem>>, vector<1x64x384xi32>
    %get3A_18 = vector.shape_cast %get3A_17 : vector<1x64x384xi32> to vector<64x384xi32>
    %add3A_19 = arith.constant 65 : i32
    %add3A_20 = vector.broadcast %add3A_19 : i32 to vector<64x384xi32>
    %add3A_21 = arith.addi %get3A_18, %add3A_20 : vector<64x384xi32>
    %or3A = arith.ori %shift_left3A_13, %add3A_21 : vector<64x384xi32>
    %broadcast_in_dim3A = vector.shape_cast %or3A : vector<64x384xi32> to vector<64x384x1xi32>
    %iota3A = tpu.iota {dimensions = array<i32: 2>} : vector<64x384x128xi32>
    %shift_right_arithmetic3A = arith.constant 7 : i32
    %shift_right_arithmetic3A_22 = vector.broadcast %shift_right_arithmetic3A : i32 to vector<64x384x1xi32>
    %shift_right_arithmetic3A_23 = arith.shrsi %broadcast_in_dim3A, %shift_right_arithmetic3A_22 : vector<64x384x1xi32>
    %eq3A = vector.broadcast %shift_right_arithmetic3A_23 : vector<64x384x1xi32> to vector<64x384x128xi32>
    %eq3A_24 = arith.cmpi eq, %iota3A, %eq3A : vector<64x384x128xi32>
    %and3A = arith.constant 127 : i32
    %and3A_25 = vector.broadcast %and3A : i32 to vector<64x384x1xi32>
    %and3A_26 = arith.andi %broadcast_in_dim3A, %and3A_25 : vector<64x384x1xi32>
    %eq3A_27 = vector.broadcast %and3A_26 : vector<64x384x1xi32> to vector<64x384x128xi32>
    %eq3A_28 = arith.cmpi eq, %iota3A, %eq3A_27 : vector<64x384x128xi32>
    %or3A_29 = arith.ori %eq3A_24, %eq3A_28 : vector<64x384x128xi1>
    %convert_element_type3A = arith.extui %or3A_29 : vector<64x384x128xi1> to vector<64x384x128xi32>
    %convert_element_type3A_30 = arith.sitofp %convert_element_type3A : vector<64x384x128xi32> to vector<64x384x128xf32>
    %convert_element_type3A_31 = arith.truncf %convert_element_type3A_30 : vector<64x384x128xf32> to vector<64x384x128xbf16>
    %reshape3A = vector.shape_cast %convert_element_type3A_31 : vector<64x384x128xbf16> to vector<24576x128xbf16>
    %get3A_32 = arith.constant 0 : index
    %get3A_33 = arith.constant 0 : index
    %get3A_34 = vector.load %arg6[%get3A_32, %get3A_33] : memref<128x128xbf16, #tpu.memory_space<vmem>>, vector<128x128xbf16>
    %dot_general3A = arith.constant dense<0.000000e+00> : vector<24576x128xf32>
    %dot_general3A_35 = tpu.matmul %reshape3A, %get3A_34, %dot_general3A {dimension_numbers = #tpu.dot_dimension_numbers<[1], [0], [0], [1], [0, 0, 1, 1], [], []>, transpose_lhs_hint = false} : vector<24576x128xbf16>, vector<128x128xbf16>, vector<24576x128xf32> -> vector<24576x128xf32>
    %reshape3A_36 = vector.shape_cast %dot_general3A_35 : vector<24576x128xf32> to vector<64x384x128xf32>
    %get3A_37 = arith.constant 0 : index
    %get3A_38 = arith.constant 0 : index
    %get3A_39 = vector.load %arg4[%get3A_37, %get3A_38] : memref<384x128xf32, #tpu.memory_space<vmem>>, vector<384x128xf32>
    %broadcast_in_dim3A_40 = vector.shape_cast %get3A_39 : vector<384x128xf32> to vector<1x384x128xf32>
    %add3A_41 = vector.broadcast %broadcast_in_dim3A_40 : vector<1x384x128xf32> to vector<64x384x128xf32>
    %add3A_42 = arith.addf %reshape3A_36, %add3A_41 : vector<64x384x128xf32>
    %get3A_43 = arith.constant 0 : index
    %get3A_44 = arith.constant 0 : index
    %get3A_45 = vector.load %arg5[%get3A_43, %get3A_44] : memref<64x128xf32, #tpu.memory_space<vmem>>, vector<64x128xf32>
    %broadcast_in_dim3A_46 = vector.shape_cast %get3A_45 : vector<64x128xf32> to vector<64x1x128xf32>
    %add3A_47 = vector.broadcast %broadcast_in_dim3A_46 : vector<64x1x128xf32> to vector<64x384x128xf32>
    %add3A_48 = arith.addf %add3A_42, %add3A_47 : vector<64x384x128xf32>
    %swap3A = arith.constant 0 : index
    %swap3A_49 = arith.constant 0 : index
    %swap3A_50 = arith.constant 0 : index
    %swap3A_51 = vector.load %arg7[%swap3A, %swap3A_49, %swap3A_50] : memref<64x384x128xf32, #tpu.memory_space<vmem>>, vector<64x384x128xf32>
    tpu.vector_store %arg7[%swap3A, %swap3A_49, %swap3A_50], %add3A_48 {strides = array<i32>} : memref<64x384x128xf32, #tpu.memory_space<vmem>>, vector<64x384x128xf32>,
    return
  }
  func.func @transform_0(%arg0: i32) -> (i32, i32) {
    %c0_i32 = arith.constant 0 : i32
    %c0_i32_0 = arith.constant 0 : i32
    %c0_i32_1 = arith.constant 0 : i32
    return %c0_i32, %c0_i32_0 : i32, i32
  }
  func.func @transform_1(%arg0: i32) -> (i32, i32) {
    %c0_i32 = arith.constant 0 : i32
    %c0_i32_0 = arith.constant 0 : i32
    return %arg0, %c0_i32 : i32, i32
  }
  func.func @transform_2(%arg0: i32) -> (i32, i32, i32) {
    %c0_i32 = arith.constant 0 : i32
    %c0_i32_0 = arith.constant 0 : i32
    %c0_i32_1 = arith.constant 0 : i32
    return %c0_i32, %arg0, %c0_i32_0 : i32, i32, i32
  }
  func.func @transform_3(%arg0: i32) -> (i32, i32) {
    %c0_i32 = arith.constant 0 : i32
    %c0_i32_0 = arith.constant 0 : i32
    %c0_i32_1 = arith.constant 0 : i32
    return %c0_i32, %c0_i32_0 : i32, i32
  }
  func.func @transform_4(%arg0: i32) -> (i32, i32) {
    %c0_i32 = arith.constant 0 : i32
    %c0_i32_0 = arith.constant 0 : i32
    return %arg0, %c0_i32 : i32, i32
  }
  func.func @transform_5(%arg0: i32) -> (i32, i32) {
    %c0_i32 = arith.constant 0 : i32
    %c0_i32_0 = arith.constant 0 : i32
    %c0_i32_1 = arith.constant 0 : i32
    return %c0_i32, %c0_i32_0 : i32, i32
  }
  func.func @transform_6(%arg0: i32) -> (i32, i32, i32) {
    %c0_i32 = arith.constant 0 : i32
    %c0_i32_0 = arith.constant 0 : i32
    %c0_i32_1 = arith.constant 0 : i32
    return %arg0, %c0_i32, %c0_i32_0 : i32, i32, i32
  }
}

</mosaic_0001>

<sc_bundles>
// kernel: kernel.5.cloned.1.call-start
scs
__scs_entry_jumppad:
0x0: {  	(pc) =	sbr.rel $0x88, $3  }
0x1: {  	(tag) =	ssettag $0x0;
	lr =	simm.s32 $0x1  }
0x2: {  	[smem:$0x3F98] =	sst lr;
	_ =	strace $0xD0000000  }
0x3: {  	_ = 	snop  }
0x4: {  	_ = 	snop  }
0x5: {  	_ = 	snop  }
0x6: {  	_ = 	snop  }
0x7: {  	_ = 	snop  }
__scs_overlays_trampoline_lowered:
0x8: {  	[smem:$0x3FA7] =	sst s0  }
0x9: {  	[smem:$0x3FA8] =	sst s1  }
0xa: {  	[smem:$0x3FA9] =	sst s2  }
0xb: {  	[smem:$0x3FAA] =	sst s3  }
0xc: {  	[smem:$0x3FAB] =	sst s4  }
0xd: {  	[smem:$0x3FAC] =	sst s5  }
0xe: {  	[smem:$0x3FAD] =	sst s6  }
0xf: {  	[smem:$0x3FAE] =	sst s7  }
0x10: {  	[smem:$0x3FAF] =	sst s8  }
0x11: {  	[smem:$0x3FB0] =	sst s9;
	s0 =	simm.s32 @!p0 $0x0  }
0x12: {  	s1 =	sld [smem:$0x3F96];
	s0 =	simm.s32 @p0 $0x1  }
0x13: {  	[smem:$0x3FB1] =	sst s0;
	s0 =	simm.s32 @!p1 $0x0  }
0x14: {  	s2 =	sld [smem:$0x3F95];
	s0 =	simm.s32 @p1 $0x1  }
0x15: {  	[smem:$0x3FB2] =	sst s0;
	s0 =	simm.s32 @!p2 $0x0  }
0x16: {  	s3 =	sld [smem:$0x3FDB];
	s0 =	simm.s32 @p2 $0x1  }
0x17: {  	s4 =	simm.s32 $0x1BF5;
	[smem:$0x3FB4] =	sst s0  }
0x18: {  	s0 =	sld [smem:$0x3F97];
	_ =	swait.ge [sflag:s4], $0x0  }
0x19: {  	s7 =	sld [smem:$0x3F98]  }
0x1a: {  	s8 =	sadd.s32 $0xFFFFE003, lr  }
0x1b: {  	s9 =	sadd.s32 $0xFFFFFEF7, lr;
	s5 =	simm.s32 $0xFFFFFFFF;
	p2 =	slt.u32 s8, $0xFFFFF086  }
0x1c: {  	p1 =	slt.u32 s9, $0xF7A;
	s5 =	simm.s32 @!p2 $0x0  }
0x1d: {  	s5 =	simm.s32 @p1 $0x1;
	p0 =	seq.s32 s7, s2  }
0x1e: {  	s7 =	smul.u32 @!p0 $0xF7A, s2;
	p2 =	seq.s32 @!p0 s5, $0x0  }
0x1f: {  	s9 =	smul.u32 $0xF7A, s1;
	s8 =	simm.s32 @!p0 $0x1BF5;
	p2 =	por !p2, p0  }
0x20: {  	[sflag:s8] =	ssyncset.s32 @!p0 $0xFFFFF086;
	s6 =	sadd.s32 @!p0 s3, s7;
	s7 =	simm.s32 @!p0 $0x108  }
0x21: {  	s3 =	sadd.s32 s3, s9;
	s6 =	sadd.s32 @!p0 $0x88, s6;
	s7 =	simm.s32 @p2 $0x1082  }
0x22: {  	[simem:s7], [sflag:s8] =	dma.local @!p0 [hbm:s6], $0xF7A  }
0x23: {  	s9 =	sor.u32 $0xD0000000, s2;
	s6 =	simm.s32 $0x108;
	_ =	swait.ge @!p0 [sflag:s8], $0x0  }
0x24: {  	s3 =	sadd.s32 $0x88, s3;
	s6 =	simm.s32 @!p1 $0x1082;
	[sflag:s4] =	ssyncset.s32 $0xFFFFF086  }
0x25: {  	[simem:s6], [sflag:s4] =	dma.local [hbm:s3], $0xF7A  }
0x26: {  	[smem:$0x3F98] =	sst s1;
	(tag) =	ssettag s2;
	_ =	strace s9  }
0x27: {  	s1 =	sld [smem:$0x3FA8]  }
0x28: {  	s2 =	sld [smem:$0x3FA9]  }
0x29: {  	s4 =	sld [smem:$0x3FAB]  }
0x2a: {  	p0 =	seq.s32 s5, $0x0;
	s5 =	sld [smem:$0x3FAC]  }
0x2b: {  	s6 =	sld [smem:$0x3FAD]  }
0x2c: {  	s7 =	sld [smem:$0x3FAE]  }
0x2d: {  	s3 =	simm.s32 $0x108;
	s8 =	sld [smem:$0x3FAF]  }
0x2e: {  	s3 =	simm.s32 @!p0 $0x1082;
	s9 =	sld [smem:$0x3FB0]  }
0x2f: {  	lr =	sadd.s32 s0, s3;
	s0 =	sld [smem:$0x3FA7]  }
0x30: {  	s3 =	sld [smem:$0x3FAA]  }
0x31: {  	[smem:$0x3FB3] =	sst s10  }
0x32: {  	s10 =	sld [smem:$0x3FB1];
	_ =	sdelay $0x3  }
0x33: {  	p0 =	seq.s32 s10, $0x1;
	s10 =	sld [smem:$0x3FB3];
	_ =	sdelay $0x3  }
0x34: {  	[smem:$0x3FB3] =	sst s10  }
0x35: {  	s10 =	sld [smem:$0x3FB2];
	_ =	sdelay $0x3  }
0x36: {  	p1 =	seq.s32 s10, $0x1;
	s10 =	sld [smem:$0x3FB3];
	_ =	sdelay $0x3  }
0x37: {  	[smem:$0x3FB3] =	sst s10  }
0x38: {  	s10 =	sld [smem:$0x3FB4]  }
0x39: {  	_ = 	snop;
	(pc) =	sbr.ind lr, $3  }
0x3a: {  	_ = 	snop  }
0x3b: {  	_ = 	snop  }
0x3c: {  	p2 =	seq.s32 s10, $0x1;
	s10 =	sld [smem:$0x3FB3]  }
0x3d: {  	_ =	shalt  }
0x3e: {  	_ =	shalt  }
0x3f: {  	_ =	shalt  }
0x40: {  	_ =	shalt  }
0x41: {  	_ =	shalt  }
0x42: {  	_ =	shalt  }
0x43: {  	_ =	shalt  }
0x44: {  	_ =	shalt  }
0x45: {  	_ =	shalt  }
0x46: {  	_ =	shalt  }
0x47: {  	_ =	shalt  }
0x48: {  	_ =	shalt  }
0x49: {  	_ =	shalt  }
0x4a: {  	_ =	shalt  }
0x4b: {  	_ =	shalt  }
0x4c: {  	_ =	shalt  }
0x4d: {  	_ =	shalt  }
0x4e: {  	_ =	shalt  }
0x4f: {  	_ =	shalt  }
0x50: {  	_ =	shalt  }
0x51: {  	_ =	shalt  }
0x52: {  	_ =	shalt  }
0x53: {  	_ =	shalt  }
0x54: {  	_ =	shalt  }
0x55: {  	_ =	shalt  }
0x56: {  	_ =	shalt  }
0x57: {  	_ =	shalt  }
0x58: {  	_ =	shalt  }
0x59: {  	_ =	shalt  }
0x5a: {  	_ =	shalt  }
0x5b: {  	_ =	shalt  }
0x5c: {  	_ =	shalt  }
0x5d: {  	_ =	shalt  }
0x5e: {  	_ =	shalt  }
0x5f: {  	_ =	shalt  }
0x60: {  	_ =	shalt  }
0x61: {  	_ =	shalt  }
0x62: {  	_ =	shalt  }
0x63: {  	_ =	shalt  }
0x64: {  	_ =	shalt  }
0x65: {  	_ =	shalt  }
0x66: {  	_ =	shalt  }
0x67: {  	_ =	shalt  }
0x68: {  	_ =	shalt  }
0x69: {  	_ =	shalt  }
0x6a: {  	_ =	shalt  }
0x6b: {  	_ =	shalt  }
0x6c: {  	_ =	shalt  }
0x6d: {  	_ =	shalt  }
0x6e: {  	_ =	shalt  }
0x6f: {  	_ =	shalt  }
0x70: {  	_ =	shalt  }
0x71: {  	_ =	shalt  }
0x72: {  	_ =	shalt  }
0x73: {  	_ =	shalt  }
0x74: {  	_ =	shalt  }
0x75: {  	_ =	shalt  }
0x76: {  	_ =	shalt  }
0x77: {  	_ =	shalt  }
0x78: {  	_ =	shalt  }
0x79: {  	_ =	shalt  }
0x7a: {  	_ =	shalt  }
0x7b: {  	_ =	shalt  }
0x7c: {  	_ =	shalt  }
0x7d: {  	_ =	shalt  }
0x7e: {  	_ =	shalt  }
0x7f: {  	_ =	shalt  }
0x80: {  	_ =	shalt  }
0x81: {  	_ =	shalt  }
0x82: {  	_ =	shalt  }
0x83: {  	_ =	shalt  }
0x84: {  	_ =	shalt  }
0x85: {  	_ =	shalt  }
0x86: {  	_ =	shalt  }
0x87: {  	_ =	shalt  }
.Lfunc_end0:
.L_simem_size_0:
called_computation_lowered:
.L_overlay_start_0:
0x88: {  	s2 =	sld [smem:$0x3FD9]  }
0x89: {  	s3 =	sld [smem:$0x3FFE];
	_ =	sdelay $0x1  }
0x8a: {  	s1 =	srdreg.scid  }
0x8b: {  	s0 =	sand.u32 $0x1, s1  }
0x8c: {  	s14 =	sshll.u32 s0, $0xA;
	s2 =	sadd.s32 s3, s2  }
0x8d: {  	s2 =	sadd.s32 s2, s14  }
0x8e: {  	[smem:$0x3FBF] =	sst s2  }
0x8f: {  	_ = 	snop  }
0x90: {  	s2 =	sld [smem:$0x3FD0];
	_ =	sdelay $0x2  }
0x91: {  	s15 =	simm.s32 $0xA;
	s4 =	simm.s32 $0x10  }
0x92: {  	[smem:s4], [sflag:s15] =	dma.local [hbm:s2], $0x1  }
0x93: {  	_ =	swait.eq [sflag:s15], $0x1  }
0x94: {  	[sflag:s15] =	ssyncset.done $0x0  }
0x95: {  	[sflag:s15] =	ssyncadd.s32 $0xFFFFFFFF  }
0x96: {  	s16 =	sld [smem:$0x10];
	(tm) =	ssettm $0x1  }
0x97: {  	s17 =	sld [smem:$0x3FFB];
	_ =	sdelay $0x3  }
0x98: {  	_ =	strace s17  }
0x99: {  	s3 =	sld [smem:$0x3FFC];
	_ =	sdelay $0x3  }
0x9a: {  	_ =	strace s3  }
0x9b: {  	s3 =	sld [smem:$0x3FFD];
	_ =	sdelay $0x3  }
0x9c: {  	_ =	strace s3  }
0x9d: {  	_ =	strace $0x8FFFFFFF  }
0x9e: {  	s18 =	sld [smem:$0x3FDB];
	_ =	sdelay $0x1  }
0x9f: {  	s19 =	simm.s32 $_scs_section_size  }
0xa0: {  	s5 =	simm.s32 $_size__tile_overlayer_lowered;
	s6 =	simm.s32 $_tile_overlayer_lowered  }
0xa1: {  	s22 =	simm.s32 $0x1BFF;
	s21 =	sshll.u32 s6, $0x1;
	s3 =	sadd.s32 s19, s18  }
0xa2: {  	s7 =	simm.s32 $0x0;
	s20 =	sshll.u32 s5, $0x1;
	s5 =	sadd.s32 s21, s3  }
0xa3: {  	[timem:s7], [sflag:s22] =	dma.local [hbm:s5], s20  }
0xa4: {  	_ =	swait.ge [sflag:s22], s20  }
0xa5: {  	s4 =	ssub.s32 $0x0, s20;
	[sflag:s22] =	ssyncset.done $0x0  }
0xa6: {  	[sflag:s22] =	ssyncadd.s32 s4;
	_ =	sdelay $0x1  }
0xa7: {  	s23 =	simm.s32 $0x1B8B  }
0xa8: {  	_ =	swait.ge [sflag:s23], $0x1  }
0xa9: {  	[sflag:s23] =	ssyncset.done $0x0  }
0xaa: {  	s25 =	simm.s32 $0x1B8E;
	s24 =	sld [smem:$0x3FFE];
	[sflag:s23] =	ssyncadd.s32 $0xFFFFFFFF  }
0xab: {  	s26 =	simm.s32 $execute0_lowered;
	[smem:$0x3FD2] =	sst s25  }
0xac: {  	s5 =	sshll.u32 s26, $0x1;
	_ =	strace $0x80000046;
	[dreg:$0x1] =	wrdreg $0xFFFFFFFF  }
0xad: {  	s28 =	simm.s32 $_size_execute0_lowered;
	s3 =	sadd.s32 s3, s5;
	[dreg:$0x0] =	wrdreg $0x0  }
0xae: {  	s5 =	sshll.u32 s28, $0x1;
	[dreg:$0x2] =	wrdreg s3  }
0xaf: {  	[dreg:$0x3] =	wrdreg s5  }
0xb0: {  	[dreg:$0x4] =	wrdreg $0xC0  }
0xb1: {  	_ =	task [dreg:s7], $0x5FFFF  }
0xb2: {  	[dreg:$0x1] =	wrdreg $0xFFFFFFFF  }
0xb3: {  	[dreg:$0x0] =	wrdreg $0x60  }
0xb4: {  	[dreg:$0x2] =	wrdreg s24  }
0xb5: {  	[dreg:$0x3] =	wrdreg s16  }
0xb6: {  	[dreg:$0x4] =	wrdreg $0x9  }
0xb7: {  	_ =	task.clear_ibuf [dreg:s7], $0x5FFFF;
	_ =	strace $0x90000046  }
0xb8: {  	s29 =	simm.s32 $0x9;
	_ =	strace $0x80000048  }
0xb9: {  	_ =	swait.ge [sflag:s29], $0x1  }
0xba: {  	[sflag:s29] =	ssyncadd.s32 $0xFFFFFFFF  }
0xbb: {  	_ =	strace $0x90000048  }
0xbc: {  	_ =	sfence  }
0xbd: {  	s30 =	sld [smem:$0x0];
	_ =	sdelay $0x2  }
0xbe: {  	s31 =	sshll.u32 s1, $0xD;
	s1 =	sshrl.u32 s1, $0x2  }
0xbf: {  	s3 =	sand.u32 $0x4000, s31;
	s1 =	sadd.s32 s1, s30  }
0xc0: {  	s0 =	sor.u32 s3, s0;
	s1 =	sshll.u32 s1, $0x11  }
0xc1: {  	s0 =	sor.u32 s1, s0  }
0xc2: {  	s0 =	sadd.s32 $0x8F2B, s0  }
0xc3: {  	[sflag:s0] =	ssyncadd.remote.s32 $0x1  }
0xc4: {  	_ =	sfence.sel $0xFFFF  }
0xc5: {  	[dreg:$0x0] =	wrdreg $0xFFFFFFFF;
	(pc) =	sbr.abs _section_cstart, $3  }
0xc6: {  	[dreg:$0x1] =	wrdreg $0xFFFFFFFF  }
0xc7: {  	_ =	task.clear_ibuf [dreg:s7], $0x2FFFF;
	_ =	strace $0x9FFFFFFF  }
0xc8: {  	(tm) =	ssettm $0x7FFFFFFF  }
0xc9: {  	_ =	shalt  }
tec
execute0_lowered:
.L_overlay_start_1:
0x0: {  	(tag) =	ssettag $0x1  }
0x1: {  	s1 =	srdreg.scid  }
0x2: {  	s0 =	stileid.u32;
	s3 =	sand.u32 $0x1, s1  }
0x3: {  	s1 =	sor.u32 s3, s0  }
0x4: {  	p1 =	seq.s32 s3, $0x1;
	p0 =	seq.s32 s1, $0x0  }
0x5: {  	s4 =	rddreg [dreg:$0x0];
	s5 =	simm.s32 $0x1;
	p0 =	por !p0, !p1  }
0x6: {  	s21 =	rddreg [dreg:$0x1];
	s2 =	simm.s32 $0x0;
	p0 =	por !p0, !p0  }
0x7: {  	[smem:$0x7FF] =	sst s2;
	s5 =	simm.s32 @!p0 $0x0  }
0x8: {  	s6 =	ssub.s32 $0x2, s3;
	s7 =	smul.u32 $0xC00000, s3;
	s5 =	ssub.s32 s0, s5  }
0x9: {  	s3 =	simm.s32 $0x1;
	s9 =	sshrl.u32 s6, $0x1;
	s5 =	smul.u32 $0x1800, s5  }
0xa: {  	s1 =	rddreg [dreg:$0x2];
	_ =	strace $0x80000047;
	s13 =	ssub.s32 s6, s9  }
0xb: {  	s13 =	smax.u32 s13, $0x1;
	s8 =	sshrl.u32 s5, $0x3;
	s19 =	sadd.s32 s7, s5  }
0xc: {  	s4 =	sadd.s32 s8, s4;
	s5 =	sshrl.u32 s19, $0x3;
	s28 =	sadd.s32 $0x18000, s19  }
0xd: {  	s7 =	sadd.s32 $0x30000, s19;
	s29 =	sadd.s32 $0x48000, s19;
	s30 =	sadd.s32 $0x60000, s19  }
0xe: {  	s10 =	sadd.s32 $0x78000, s19;
	s11 =	sadd.s32 $0x90000, s19;
	s12 =	sadd.s32 $0xA8000, s19  }
0xf: {  	s14 =	sadd.s32 $0x168000, s19;
	s15 =	sadd.s32 $0x150000, s19;
	s16 =	sadd.s32 $0x138000, s19  }
0x10: {  	s17 =	sadd.s32 $0x120000, s19;
	s18 =	sadd.s32 $0x108000, s19;
	s20 =	sadd.s32 $0xF0000, s19  }
0x11: {  	s22 =	sadd.s32 $0xD8000, s19;
	s23 =	sadd.s32 $0xC0000, s19;
	s4 =	sadd.s32 $0x1800, s4  }
0x12: {  	s5 =	sadd.s32 s21, s5;
	s6 =	sshrl.u32 s28, $0x3;
	s7 =	sshrl.u32 s7, $0x3  }
0x13: {  	s8 =	sshrl.u32 s29, $0x3;
	s9 =	sshrl.u32 s30, $0x3;
	s10 =	sshrl.u32 s10, $0x3  }
0x14: {  	s11 =	sshrl.u32 s11, $0x3;
	s12 =	sshrl.u32 s12, $0x3;
	s14 =	sshrl.u32 s14, $0x3  }
0x15: {  	s15 =	sshrl.u32 s15, $0x3;
	s16 =	sshrl.u32 s16, $0x3;
	s17 =	sshrl.u32 s17, $0x3  }
0x16: {  	s18 =	sshrl.u32 s18, $0x3;
	s20 =	sshrl.u32 s20, $0x3;
	s22 =	sshrl.u32 s22, $0x3  }
0x17: {  	s31 =	sshrl.u32 s23, $0x3;
	s23 =	simm.s32 $0x0;
	s6 =	sadd.s32 s21, s6  }
0x18: {  	s7 =	sadd.s32 s21, s7;
	s8 =	sadd.s32 s21, s8;
	s9 =	sadd.s32 s21, s9  }
0x19: {  	s10 =	sadd.s32 s21, s10;
	s11 =	sadd.s32 s21, s11;
	s12 =	sadd.s32 s21, s12  }
0x1a: {  	s14 =	sadd.s32 s14, s21;
	s15 =	sadd.s32 s15, s21;
	s16 =	sadd.s32 s16, s21  }
0x1b: {  	s17 =	sadd.s32 s17, s21;
	s18 =	sadd.s32 s18, s21;
	s19 =	sadd.s32 s20, s21  }
0x1c: {  	s20 =	sadd.s32 s22, s21;
	s21 =	sadd.s32 s31, s21;
	s22 =	simm.s32 $0x2  }
.LBB2_1:
0x1d: {  	[tilespmem:s2], [sflag:$0x2] =	stream.linear.gather [hbm4b:s4+s2], $0x1800, $0x38;
	[tilespmem:$0x1800] =	vst v63  }
0x1e: {  	_ =	swait.ge [sflag:s22], $0x1800  }
0x1f: {  	[sflag:s22] =	ssyncset.done $0x0  }
0x20: {  	[sflag:s22] =	ssyncadd.s32 $0xFFFFE800  }
0x21: {  	[hbm4b:s5+s2] =	stream.linear.scatter [tilespmem:s2], [sflag:$0x1], $0x1800, $0x38;
	[tilespmem:$0x1800] =	vst v63  }
0x22: {  	_ = 	snop  }
0x23: {  	[hbm4b:s6+s2] =	stream.linear.scatter [tilespmem:s2], [sflag:$0x1], $0x1800, $0x38;
	[tilespmem:$0x1800] =	vst v63  }
0x24: {  	_ = 	snop  }
0x25: {  	[hbm4b:s7+s2] =	stream.linear.scatter [tilespmem:s2], [sflag:$0x1], $0x1800, $0x38;
	[tilespmem:$0x1800] =	vst v63  }
0x26: {  	_ = 	snop  }
0x27: {  	[hbm4b:s8+s2] =	stream.linear.scatter [tilespmem:s2], [sflag:$0x1], $0x1800, $0x38;
	[tilespmem:$0x1800] =	vst v63  }
0x28: {  	_ = 	snop  }
0x29: {  	[hbm4b:s9+s2] =	stream.linear.scatter [tilespmem:s2], [sflag:$0x1], $0x1800, $0x38;
	[tilespmem:$0x1800] =	vst v63  }
0x2a: {  	_ = 	snop  }
0x2b: {  	[hbm4b:s10+s2] =	stream.linear.scatter [tilespmem:s2], [sflag:$0x1], $0x1800, $0x38;
	[tilespmem:$0x1800] =	vst v63  }
0x2c: {  	_ = 	snop  }
0x2d: {  	[hbm4b:s11+s2] =	stream.linear.scatter [tilespmem:s2], [sflag:$0x1], $0x1800, $0x38;
	[tilespmem:$0x1800] =	vst v63  }
0x2e: {  	_ = 	snop  }
0x2f: {  	[hbm4b:s12+s2] =	stream.linear.scatter [tilespmem:s2], [sflag:$0x1], $0x1800, $0x38;
	[tilespmem:$0x1800] =	vst v63  }
0x30: {  	s24 =	sadd.s32 $0x0, s21  }
0x31: {  	[hbm4b:s24+s2] =	stream.linear.scatter [tilespmem:s2], [sflag:$0x1], $0x1800, $0x38;
	[tilespmem:$0x1800] =	vst v63  }
0x32: {  	s31 =	sadd.s32 $0x0, s20  }
0x33: {  	[hbm4b:s31+s2] =	stream.linear.scatter [tilespmem:s2], [sflag:$0x1], $0x1800, $0x38;
	[tilespmem:$0x1800] =	vst v63  }
0x34: {  	s25 =	sadd.s32 $0x0, s19  }
0x35: {  	[hbm4b:s25+s2] =	stream.linear.scatter [tilespmem:s2], [sflag:$0x1], $0x1800, $0x38;
	[tilespmem:$0x1800] =	vst v63  }
0x36: {  	s26 =	sadd.s32 $0x0, s18  }
0x37: {  	[hbm4b:s26+s2] =	stream.linear.scatter [tilespmem:s2], [sflag:$0x1], $0x1800, $0x38;
	[tilespmem:$0x1800] =	vst v63  }
0x38: {  	s28 =	sadd.s32 $0x0, s17  }
0x39: {  	[hbm4b:s28+s2] =	stream.linear.scatter [tilespmem:s2], [sflag:$0x1], $0x1800, $0x38;
	[tilespmem:$0x1800] =	vst v63  }
0x3a: {  	s29 =	sadd.s32 $0x0, s16  }
0x3b: {  	[hbm4b:s29+s2] =	stream.linear.scatter [tilespmem:s2], [sflag:$0x1], $0x1800, $0x38;
	[tilespmem:$0x1800] =	vst v63  }
0x3c: {  	s30 =	sadd.s32 $0x0, s15  }
0x3d: {  	[hbm4b:s30+s2] =	stream.linear.scatter [tilespmem:s2], [sflag:$0x1], $0x1800, $0x38;
	[tilespmem:$0x1800] =	vst v63  }
0x3e: {  	s31 =	sadd.s32 $0x0, s14  }
0x3f: {  	[hbm4b:s31+s2] =	stream.linear.scatter [tilespmem:s2], [sflag:$0x1], $0x1800, $0x38;
	[tilespmem:$0x1800] =	vst v63  }
0x40: {  	_ =	swait.ge [sflag:s3], $0x1800  }
0x41: {  	[sflag:s3] =	ssyncset.done $0x0  }
0x42: {  	[sflag:s3] =	ssyncadd.s32 $0xFFFFE800  }
0x43: {  	_ =	swait.ge [sflag:s3], $0x1800  }
0x44: {  	[sflag:s3] =	ssyncset.done $0x0  }
0x45: {  	[sflag:s3] =	ssyncadd.s32 $0xFFFFE800  }
0x46: {  	_ =	swait.ge [sflag:s3], $0x1800  }
0x47: {  	[sflag:s3] =	ssyncset.done $0x0  }
0x48: {  	[sflag:s3] =	ssyncadd.s32 $0xFFFFE800  }
0x49: {  	_ =	swait.ge [sflag:s3], $0x1800  }
0x4a: {  	[sflag:s3] =	ssyncset.done $0x0  }
0x4b: {  	[sflag:s3] =	ssyncadd.s32 $0xFFFFE800  }
0x4c: {  	_ =	swait.ge [sflag:s3], $0x1800  }
0x4d: {  	[sflag:s3] =	ssyncset.done $0x0  }
0x4e: {  	[sflag:s3] =	ssyncadd.s32 $0xFFFFE800  }
0x4f: {  	_ =	swait.ge [sflag:s3], $0x1800  }
0x50: {  	[sflag:s3] =	ssyncset.done $0x0  }
0x51: {  	[sflag:s3] =	ssyncadd.s32 $0xFFFFE800  }
0x52: {  	_ =	swait.ge [sflag:s3], $0x1800  }
0x53: {  	[sflag:s3] =	ssyncset.done $0x0  }
0x54: {  	[sflag:s3] =	ssyncadd.s32 $0xFFFFE800  }
0x55: {  	_ =	swait.ge [sflag:s3], $0x1800  }
0x56: {  	s24 =	simm.s32 $0x18000;
	s26 =	simm.s32 $0x30000;
	[sflag:s3] =	ssyncset.done $0x0  }
.LBB2_2:
0x57: {  	s28 =	sadd.s32 s24, s21  }
0x58: {  	[sflag:s3] =	ssyncadd.s32 $0xFFFFE800;
	s29 =	smov.u32 s26;
	s25 =	sadd.s32 $0x18000, s26  }
0x59: {  	[hbm4b:s28+s2] =	stream.linear.scatter [tilespmem:s2], [sflag:$0x1], $0x1800, $0x38;
	[tilespmem:$0x1800] =	vst v63  }
0x5a: {  	p0 =	sne.s32 s26, $0x150000;
	s26 =	sadd.s32 s24, s20  }
0x5b: {  	[hbm4b:s26+s2] =	stream.linear.scatter [tilespmem:s2], [sflag:$0x1], $0x1800, $0x38;
	[tilespmem:$0x1800] =	vst v63  }
0x5c: {  	s26 =	sadd.s32 s24, s19  }
0x5d: {  	[hbm4b:s26+s2] =	stream.linear.scatter [tilespmem:s2], [sflag:$0x1], $0x1800, $0x38;
	[tilespmem:$0x1800] =	vst v63  }
0x5e: {  	s26 =	sadd.s32 s24, s18  }
0x5f: {  	[hbm4b:s26+s2] =	stream.linear.scatter [tilespmem:s2], [sflag:$0x1], $0x1800, $0x38;
	[tilespmem:$0x1800] =	vst v63  }
0x60: {  	s26 =	sadd.s32 s24, s17  }
0x61: {  	[hbm4b:s26+s2] =	stream.linear.scatter [tilespmem:s2], [sflag:$0x1], $0x1800, $0x38;
	[tilespmem:$0x1800] =	vst v63  }
0x62: {  	s26 =	sadd.s32 s24, s16  }
0x63: {  	[hbm4b:s26+s2] =	stream.linear.scatter [tilespmem:s2], [sflag:$0x1], $0x1800, $0x38;
	[tilespmem:$0x1800] =	vst v63  }
0x64: {  	s26 =	sadd.s32 s24, s15  }
0x65: {  	[hbm4b:s26+s2] =	stream.linear.scatter [tilespmem:s2], [sflag:$0x1], $0x1800, $0x38;
	[tilespmem:$0x1800] =	vst v63  }
0x66: {  	s26 =	sadd.s32 s24, s14;
	s24 =	smov.u32 s29  }
0x67: {  	[hbm4b:s26+s2] =	stream.linear.scatter [tilespmem:s2], [sflag:$0x1], $0x1800, $0x38;
	[tilespmem:$0x1800] =	vst v63  }
0x68: {  	_ =	swait.ge [sflag:s3], $0x1800  }
0x69: {  	[sflag:s3] =	ssyncset.done $0x0  }
0x6a: {  	[sflag:s3] =	ssyncadd.s32 $0xFFFFE800  }
0x6b: {  	_ =	swait.ge [sflag:s3], $0x1800  }
0x6c: {  	[sflag:s3] =	ssyncset.done $0x0  }
0x6d: {  	[sflag:s3] =	ssyncadd.s32 $0xFFFFE800  }
0x6e: {  	_ =	swait.ge [sflag:s3], $0x1800  }
0x6f: {  	[sflag:s3] =	ssyncset.done $0x0  }
0x70: {  	[sflag:s3] =	ssyncadd.s32 $0xFFFFE800  }
0x71: {  	_ =	swait.ge [sflag:s3], $0x1800  }
0x72: {  	[sflag:s3] =	ssyncset.done $0x0  }
0x73: {  	[sflag:s3] =	ssyncadd.s32 $0xFFFFE800  }
0x74: {  	_ =	swait.ge [sflag:s3], $0x1800  }
0x75: {  	[sflag:s3] =	ssyncset.done $0x0  }
0x76: {  	[sflag:s3] =	ssyncadd.s32 $0xFFFFE800  }
0x77: {  	_ =	swait.ge [sflag:s3], $0x1800  }
0x78: {  	[sflag:s3] =	ssyncset.done $0x0  }
0x79: {  	[sflag:s3] =	ssyncadd.s32 $0xFFFFE800  }
.Ltmp0:
0x7a: {  	_ =	swait.ge [sflag:s3], $0x1800;
	(pc) =	sbr.rel @p0 .LBB2_2-.Ltmp0, $4  }
0x7b: {  	[sflag:s3] =	ssyncset.done $0x0  }
0x7c: {  	[sflag:s3] =	ssyncadd.s32 $0xFFFFE800  }
0x7d: {  	_ =	swait.ge [sflag:s3], $0x1800  }
0x7e: {  	s26 =	smov.u32 s25;
	[sflag:s3] =	ssyncset.done $0x0  }
0x7f: {  	s25 =	sadd.s32 s24, s21;
	[sflag:s3] =	ssyncadd.s32 $0xFFFFE800  }
0x80: {  	[hbm4b:s25+s2] =	stream.linear.scatter [tilespmem:s2], [sflag:$0x1], $0x1800, $0x38;
	[tilespmem:$0x1800] =	vst v63  }
0x81: {  	s30 =	sadd.s32 s24, s20  }
0x82: {  	[hbm4b:s30+s2] =	stream.linear.scatter [tilespmem:s2], [sflag:$0x1], $0x1800, $0x38;
	[tilespmem:$0x1800] =	vst v63  }
0x83: {  	s31 =	sadd.s32 s24, s19  }
0x84: {  	[hbm4b:s31+s2] =	stream.linear.scatter [tilespmem:s2], [sflag:$0x1], $0x1800, $0x38;
	[tilespmem:$0x1800] =	vst v63  }
0x85: {  	s26 =	sadd.s32 s24, s18  }
0x86: {  	[hbm4b:s26+s2] =	stream.linear.scatter [tilespmem:s2], [sflag:$0x1], $0x1800, $0x38;
	[tilespmem:$0x1800] =	vst v63  }
0x87: {  	s28 =	sadd.s32 s24, s17  }
0x88: {  	[hbm4b:s28+s2] =	stream.linear.scatter [tilespmem:s2], [sflag:$0x1], $0x1800, $0x38;
	[tilespmem:$0x1800] =	vst v63  }
0x89: {  	s29 =	sadd.s32 s24, s16  }
0x8a: {  	[hbm4b:s29+s2] =	stream.linear.scatter [tilespmem:s2], [sflag:$0x1], $0x1800, $0x38;
	[tilespmem:$0x1800] =	vst v63  }
0x8b: {  	s30 =	sadd.s32 s24, s15  }
0x8c: {  	[hbm4b:s30+s2] =	stream.linear.scatter [tilespmem:s2], [sflag:$0x1], $0x1800, $0x38;
	[tilespmem:$0x1800] =	vst v63  }
0x8d: {  	s31 =	sadd.s32 s24, s14  }
0x8e: {  	[hbm4b:s31+s2] =	stream.linear.scatter [tilespmem:s2], [sflag:$0x1], $0x1800, $0x38;
	[tilespmem:$0x1800] =	vst v63  }
0x8f: {  	_ =	swait.ge [sflag:s3], $0x1800  }
0x90: {  	[sflag:s3] =	ssyncset.done $0x0  }
0x91: {  	[sflag:s3] =	ssyncadd.s32 $0xFFFFE800  }
0x92: {  	_ =	swait.ge [sflag:s3], $0x1800  }
0x93: {  	[sflag:s3] =	ssyncset.done $0x0  }
0x94: {  	[sflag:s3] =	ssyncadd.s32 $0xFFFFE800  }
0x95: {  	_ =	swait.ge [sflag:s3], $0x1800  }
0x96: {  	[sflag:s3] =	ssyncset.done $0x0  }
0x97: {  	[sflag:s3] =	ssyncadd.s32 $0xFFFFE800  }
0x98: {  	_ =	swait.ge [sflag:s3], $0x1800  }
0x99: {  	[sflag:s3] =	ssyncset.done $0x0  }
0x9a: {  	[sflag:s3] =	ssyncadd.s32 $0xFFFFE800  }
0x9b: {  	_ =	swait.ge [sflag:s3], $0x1800  }
0x9c: {  	[sflag:s3] =	ssyncset.done $0x0  }
0x9d: {  	[sflag:s3] =	ssyncadd.s32 $0xFFFFE800  }
0x9e: {  	_ =	swait.ge [sflag:s3], $0x1800  }
0x9f: {  	[sflag:s3] =	ssyncset.done $0x0  }
0xa0: {  	[sflag:s3] =	ssyncadd.s32 $0xFFFFE800  }
0xa1: {  	_ =	swait.ge [sflag:s3], $0x1800  }
0xa2: {  	[sflag:s3] =	ssyncset.done $0x0  }
0xa3: {  	[sflag:s3] =	ssyncadd.s32 $0xFFFFE800  }
0xa4: {  	_ =	swait.ge [sflag:s3], $0x1800  }
0xa5: {  	[sflag:s3] =	ssyncset.done $0x0  }
0xa6: {  	[sflag:s3] =	ssyncadd.s32 $0xFFFFE800  }
0xa7: {  	_ =	swait.ge [sflag:s3], $0x1800  }
0xa8: {  	[sflag:s3] =	ssyncset.done $0x0  }
0xa9: {  	[sflag:s3] =	ssyncadd.s32 $0xFFFFE800  }
0xaa: {  	_ =	swait.ge [sflag:s3], $0x1800  }
0xab: {  	[sflag:s3] =	ssyncset.done $0x0  }
0xac: {  	[sflag:s3] =	ssyncadd.s32 $0xFFFFE800  }
0xad: {  	_ =	swait.ge [sflag:s3], $0x1800  }
0xae: {  	[sflag:s3] =	ssyncset.done $0x0  }
0xaf: {  	[sflag:s3] =	ssyncadd.s32 $0xFFFFE800  }
0xb0: {  	_ =	swait.ge [sflag:s3], $0x1800  }
0xb1: {  	[sflag:s3] =	ssyncset.done $0x0  }
0xb2: {  	[sflag:s3] =	ssyncadd.s32 $0xFFFFE800  }
0xb3: {  	_ =	swait.ge [sflag:s3], $0x1800  }
0xb4: {  	[sflag:s3] =	ssyncset.done $0x0  }
0xb5: {  	[sflag:s3] =	ssyncadd.s32 $0xFFFFE800  }
0xb6: {  	_ =	swait.ge [sflag:s3], $0x1800  }
0xb7: {  	[sflag:s3] =	ssyncset.done $0x0  }
0xb8: {  	s23 =	sadd.s32 $0x1, s23;
	[sflag:s3] =	ssyncadd.s32 $0xFFFFE800  }
0xb9: {  	p0 =	sne.s32 s23, s13;
	_ =	swait.ge [sflag:s3], $0x1800  }
.Ltmp1:
0xba: {  	[sflag:s3] =	ssyncset.done $0x0;
	(pc) =	sbr.rel @p0 .LBB2_1-.Ltmp1, $4  }
0xbb: {  	[sflag:s3] =	ssyncadd.s32 $0xFFFFE800  }
0xbc: {  	_ =	swait.ge [sflag:s3], $0x1800  }
0xbd: {  	[sflag:s3] =	ssyncset.done $0x0  }
0xbe: {  	[sflag:s3] =	ssyncadd.s32 $0xFFFFE800  }
0xbf: {  	_ =	sfence.sel $0x180000  }
0xc0: {  	[bflag:$0x0] =	sbarrier.arrive $0xFFFF  }
0xc1: {  	p0 =	sne.s32 s0, $0x0;
	_ =	strace $0x90000047  }
0xc2: {  	s0 =	sadd.s32 @!p0 $0x100000, s1;
	[bflag:$0x2] =	sbarrier.arrive $0xFFFF  }
0xc3: {  	[sflag:s0] =	ssyncadd.tile.s32 @!p0 $0x1;
	_ =	shalt  }
.Lfunc_end2:
_tile_overlayer_lowered:
.L_overlay_start_2:
0xc4: {  	(tag) =	ssettag $0x2  }
0xc5: {  	s0 =	rddreg [dreg:$0x0];
	s2 =	stileid.u32  }
0xc6: {  	s1 =	rddreg [dreg:$0x1];
	p0 =	sne.s32 s2, $0x0  }
0xc7: {  	s3 =	rddreg [dreg:$0x2];
	[bflag:$0x3] =	sbarrier.arrive $0xFFFF;
	s2 =	simm.s32 @!p0 $0x1C02  }
0xc8: {  	[timem:s3], [sflag:s2] =	dma.local @!p0 [hbm:s0], s1  }
0xc9: {  	s0 =	simm.s32 @!p0 $0x2  }
0xca: {  	_ =	swait.ge @!p0 [sflag:s0], s1  }
0xcb: {  	s1 =	ssub.s32 @!p0 $0x0, s1;
	[sflag:s0] =	ssyncset.done @!p0 $0x0  }
0xcc: {  	[sflag:s0] =	ssyncadd.s32 @!p0 s1  }
0xcd: {  	[bflag:$0x3] =	sbarrier.arrive $0xFFFF  }
0xce: {  	_ =	shalt  }

</sc_bundles>
